<compile_context>
chip_gen: v7x
topology: tpu7x:2x2x1
jax: 0.10.2.dev20260603
libtpu: 0.0.44.dev20260713+nightly
codegen_flags: <defaults>
</compile_context>

<pallas_src>
import functools

import jax
import jax.numpy as jnp
from jax.experimental import pallas as pl
from jax.experimental.pallas import tpu as pltpu
from jax.experimental.pallas import tpu_sc as plsc

_NH = 16
_W = 32
_N = _W * _W
_D = 2 * _W - 1
_QL = _D * _W
_QP = 2048
_NT = 3969

_NC = 2
_NS = 16


def _sc_build_q(tbl, bq, tbl_v, out_v):
  iw = jax.lax.axis_index("s") * _NC + jax.lax.axis_index("c")
  pltpu.sync_copy(tbl, tbl_v)
  iota = jax.lax.iota(jnp.int32, _NS)
  rbase = (_D - 1) * _D + iw

  def _body(e, _):
    row0 = rbase - _D * e
    c0 = e * _W
    for t in range(_W):
      jw = _W - 1 - t
      v = tbl_v[row0 + t, :]
      plsc.store_scatter(
          out_v, [iota, jax.lax.broadcast(c0 + jw, (_NS,))], v)
    return ()

  jax.lax.fori_loop(0, _D, _body, ())

  pltpu.sync_copy(out_v.at[:, pl.ds(0, _QP)], bq.at[:, iw])


def _tc_expand(bq_hbm, out_ref, scr, sems):
  g = pl.program_id(0)
  p = 2 * jax.lax.rem(g, 2)
  pn = 2 * jax.lax.rem(g + 1, 2)

  @pl.when(g == 0)
  def _():
    pltpu.make_async_copy(bq_hbm.at[0], scr.at[0], sems.at[0]).start()
    pltpu.make_async_copy(bq_hbm.at[1], scr.at[1], sems.at[1]).start()

  @pl.when(g + 1 < _NH // 2)
  def _():
    pltpu.make_async_copy(
        bq_hbm.at[2 * g + 2], scr.at[pn], sems.at[pn]).start()
    pltpu.make_async_copy(
        bq_hbm.at[2 * g + 3], scr.at[pn + 1], sems.at[pn + 1]).start()

  for hh in range(2):
    pltpu.make_async_copy(
        bq_hbm.at[2 * g + hh], scr.at[p + hh], sems.at[p + hh]).wait()
    q = scr[p + hh]
    for ih in range(_W):
      off = (_W - 1 - ih) * _W
      out_ref[hh, ih * _W:(ih + 1) * _W, :] = q[:, off:off + _N]


def kernel(relative_position_bias_table, relative_position_index):
  del relative_position_index
  tbl = relative_position_bias_table

  build_q = pl.kernel(
      _sc_build_q,
      out_type=jax.ShapeDtypeStruct((_NH, _W, _QP), jnp.float32),
      mesh=plsc.VectorSubcoreMesh(core_axis_name="c", subcore_axis_name="s"),
      scratch_types=[
          pltpu.VMEM((_NT, _NH), jnp.float32),
          pltpu.VMEM((_NH, _QP + 1), jnp.float32),
      ],
      compiler_params=pltpu.CompilerParams(
          use_tc_tiling_on_sc=False, needs_layout_passes=False),
  )
  q = build_q(tbl)

  out = pl.pallas_call(
      _tc_expand,
      grid=(_NH // 2,),
      in_specs=[pl.BlockSpec(memory_space=pl.ANY)],
      out_specs=pl.BlockSpec((2, _N, _N), lambda g: (g, 0, 0)),
      out_shape=jax.ShapeDtypeStruct((_NH, _N, _N), jnp.float32),
      scratch_shapes=[
          pltpu.VMEM((4, _W, _QP), jnp.float32),
          pltpu.SemaphoreType.DMA((4,)),
      ],
  )(q)
  return out

# --- scband reference (transcript-rebuilt; emitter-appended) ---
"""Pipeline reference for scband-relative-position-bias-15753940042131 (READ-ONLY COPY).

The authoritative reference and input builder live on the scoring server;
editing this copy changes nothing except your own understanding.
"""

import jax, jax.numpy as jnp
import numpy as np

WS = (32, 32)
NUM_HEADS = 16
NUM_REL_DIST = (2 * WS[0] - 1) * (2 * WS[1] - 1)


def _relative_position_index(ws):
    coords_h = np.arange(ws[0])
    coords_w = np.arange(ws[1])
    coords = np.stack(np.meshgrid(coords_h, coords_w, indexing='ij'))  # (2, Wh, Ww)
    coords_flatten = coords.reshape(2, -1)  # (2, Wh*Ww)
    relative_coords = coords_flatten[:, :, None] - coords_flatten[:, None, :]  # (2, N, N)
    relative_coords = relative_coords.transpose(1, 2, 0).copy()  # (N, N, 2)
    relative_coords[:, :, 0] += ws[0] - 1
    relative_coords[:, :, 1] += ws[1] - 1
    relative_coords[:, :, 0] *= 2 * ws[1] - 1
    return relative_coords.sum(-1)  # (N, N)


def setup_inputs(seed: int = 0) -> dict:
    key = jax.random.key(seed)
    table = jax.random.normal(key, (NUM_REL_DIST, NUM_HEADS), dtype=jnp.float32) * 0.02
    rel_idx = jnp.asarray(_relative_position_index(WS), dtype=jnp.int32)
    return {
        'relative_position_bias_table': table,
        'relative_position_index': rel_idx,
    }


def reference(relative_position_bias_table, relative_position_index):
    n = WS[0] * WS[1]
    bias = relative_position_bias_table[relative_position_index.reshape(-1)]
    bias = bias.reshape(n, n, -1)
    return jnp.transpose(bias, (2, 0, 1))

if __name__ == "__main__":
    import jax
    _d = setup_inputs()
    print(jax.jit(kernel)(*tuple(_d.values())))

</pallas_src>

<mosaic_0001>
#map = affine_map<(d0, d1) -> (0, 0)>
#map1 = affine_map<(d0, d1) -> (0, 0, 0)>
module attributes {stable_mosaic.version = 14 : i64} {
  func.func @_sc_build_q(%arg0: i32, %arg1: i32, %arg2: memref<3969x16xf32, #tpu.memory_space<hbm>>, %arg3: memref<16x32x2048xf32, #tpu.memory_space<hbm>>, %arg4: memref<3969x16xf32, #tpu.memory_space<vmem>>, %arg5: memref<16x2049xf32, #tpu.memory_space<vmem>>) attributes {dimension_semantics = [#tpu.dimension_semantics<core_parallel>, #tpu.dimension_semantics<subcore_parallel>], iteration_bounds = array<i64: 2, 16>, scalar_prefetch = 0 : i64, scratch_operands = 2 : i64, tpu.core_type = #tpu.core_type<sc_vector_subcore>, window_params = [{transform_indices = #map}, {transform_indices = #map1}]} {
    %mul3A = arith.constant 2 : i32
    %mul3A_0 = arith.muli %arg1, %mul3A : i32
    %add3A = arith.addi %mul3A_0, %arg0 : i32
    "tpu.region"() ({
      %run_scoped3A = tpu.sem_alloc : memref<!tpu.dma_semaphore, #tpu.memory_space<semaphore_mem>>
      tpu.enqueue_dma source(%arg2 : memref<3969x16xf32, #tpu.memory_space<hbm>>) target(%arg4 : memref<3969x16xf32, #tpu.memory_space<vmem>>) target_semaphore(%run_scoped3A : memref<!tpu.dma_semaphore, #tpu.memory_space<semaphore_mem>>)
      tpu.wait_dma2 semaphore(%run_scoped3A : memref<!tpu.dma_semaphore, #tpu.memory_space<semaphore_mem>>) src(%arg2 : memref<3969x16xf32, #tpu.memory_space<hbm>>) dst(%arg4 : memref<3969x16xf32, #tpu.memory_space<vmem>>)
      tpu.yield
    }) : () -> ()
    %iota3A = tpu.iota {dimensions = array<i32: 0>} : vector<16xi32>
    %add3A_1 = arith.constant 3906 : i32
    %add3A_2 = arith.addi %add3A_1, %add3A : i32
    %scan3A = arith.constant 0 : i32
    %scan3A_3 = arith.constant 63 : i32
    %scan3A_4 = arith.addi %scan3A, %scan3A_3 : i32
    %scan3A_5 = arith.constant 1 : i32
    scf.for %scan3A_7 = %scan3A to %scan3A_4 step %scan3A_5  : i32 {
      %mul3A_8 = arith.constant 63 : i32
      %mul3A_9 = arith.muli %mul3A_8, %scan3A_7 : i32
      %sub3A = arith.subi %add3A_2, %mul3A_9 : i32
      %mul3A_10 = arith.constant 32 : i32
      %mul3A_11 = arith.muli %scan3A_7, %mul3A_10 : i32
      %add3A_12 = arith.constant 0 : i32
      %add3A_13 = arith.addi %sub3A, %add3A_12 : i32
      %get3A = arith.index_cast %add3A_13 : i32 to index
      %get3A_14 = arith.constant 0 : index
      %get3A_15 = tpu.vector_load %arg4[%get3A, %get3A_14] {strides = array<i32>} : memref<3969x16xf32, #tpu.memory_space<vmem>>, vector<16xf32>,
      %add3A_16 = arith.constant 31 : i32
      %add3A_17 = arith.addi %mul3A_11, %add3A_16 : i32
      %broadcast_in_dim3A = vector.broadcast %add3A_17 : i32 to vector<16xi32>
      tpu.vector_store_idx %arg5[%iota3A, %broadcast_in_dim3A], %get3A_15 : memref<16x2049xf32, #tpu.memory_space<vmem>>[vector<16xi32>, vector<16xi32>], vector<16xf32>,
      %add3A_18 = arith.constant 1 : i32
      %add3A_19 = arith.addi %sub3A, %add3A_18 : i32
      %get3A_20 = arith.index_cast %add3A_19 : i32 to index
      %get3A_21 = arith.constant 0 : index
      %get3A_22 = tpu.vector_load %arg4[%get3A_20, %get3A_21] {strides = array<i32>} : memref<3969x16xf32, #tpu.memory_space<vmem>>, vector<16xf32>,
      %add3A_23 = arith.constant 30 : i32
      %add3A_24 = arith.addi %mul3A_11, %add3A_23 : i32
      %broadcast_in_dim3A_25 = vector.broadcast %add3A_24 : i32 to vector<16xi32>
      tpu.vector_store_idx %arg5[%iota3A, %broadcast_in_dim3A_25], %get3A_22 : memref<16x2049xf32, #tpu.memory_space<vmem>>[vector<16xi32>, vector<16xi32>], vector<16xf32>,
      %add3A_26 = arith.constant 2 : i32
      %add3A_27 = arith.addi %sub3A, %add3A_26 : i32
      %get3A_28 = arith.index_cast %add3A_27 : i32 to index
      %get3A_29 = arith.constant 0 : index
      %get3A_30 = tpu.vector_load %arg4[%get3A_28, %get3A_29] {strides = array<i32>} : memref<3969x16xf32, #tpu.memory_space<vmem>>, vector<16xf32>,
      %add3A_31 = arith.constant 29 : i32
      %add3A_32 = arith.addi %mul3A_11, %add3A_31 : i32
      %broadcast_in_dim3A_33 = vector.broadcast %add3A_32 : i32 to vector<16xi32>
      tpu.vector_store_idx %arg5[%iota3A, %broadcast_in_dim3A_33], %get3A_30 : memref<16x2049xf32, #tpu.memory_space<vmem>>[vector<16xi32>, vector<16xi32>], vector<16xf32>,
      %add3A_34 = arith.constant 3 : i32
      %add3A_35 = arith.addi %sub3A, %add3A_34 : i32
      %get3A_36 = arith.index_cast %add3A_35 : i32 to index
      %get3A_37 = arith.constant 0 : index
      %get3A_38 = tpu.vector_load %arg4[%get3A_36, %get3A_37] {strides = array<i32>} : memref<3969x16xf32, #tpu.memory_space<vmem>>, vector<16xf32>,
      %add3A_39 = arith.constant 28 : i32
      %add3A_40 = arith.addi %mul3A_11, %add3A_39 : i32
      %broadcast_in_dim3A_41 = vector.broadcast %add3A_40 : i32 to vector<16xi32>
      tpu.vector_store_idx %arg5[%iota3A, %broadcast_in_dim3A_41], %get3A_38 : memref<16x2049xf32, #tpu.memory_space<vmem>>[vector<16xi32>, vector<16xi32>], vector<16xf32>,
      %add3A_42 = arith.constant 4 : i32
      %add3A_43 = arith.addi %sub3A, %add3A_42 : i32
      %get3A_44 = arith.index_cast %add3A_43 : i32 to index
      %get3A_45 = arith.constant 0 : index
      %get3A_46 = tpu.vector_load %arg4[%get3A_44, %get3A_45] {strides = array<i32>} : memref<3969x16xf32, #tpu.memory_space<vmem>>, vector<16xf32>,
      %add3A_47 = arith.constant 27 : i32
      %add3A_48 = arith.addi %mul3A_11, %add3A_47 : i32
      %broadcast_in_dim3A_49 = vector.broadcast %add3A_48 : i32 to vector<16xi32>
      tpu.vector_store_idx %arg5[%iota3A, %broadcast_in_dim3A_49], %get3A_46 : memref<16x2049xf32, #tpu.memory_space<vmem>>[vector<16xi32>, vector<16xi32>], vector<16xf32>,
      %add3A_50 = arith.constant 5 : i32
      %add3A_51 = arith.addi %sub3A, %add3A_50 : i32
      %get3A_52 = arith.index_cast %add3A_51 : i32 to index
      %get3A_53 = arith.constant 0 : index
      %get3A_54 = tpu.vector_load %arg4[%get3A_52, %get3A_53] {strides = array<i32>} : memref<3969x16xf32, #tpu.memory_space<vmem>>, vector<16xf32>,
      %add3A_55 = arith.constant 26 : i32
      %add3A_56 = arith.addi %mul3A_11, %add3A_55 : i32
      %broadcast_in_dim3A_57 = vector.broadcast %add3A_56 : i32 to vector<16xi32>
      tpu.vector_store_idx %arg5[%iota3A, %broadcast_in_dim3A_57], %get3A_54 : memref<16x2049xf32, #tpu.memory_space<vmem>>[vector<16xi32>, vector<16xi32>], vector<16xf32>,
      %add3A_58 = arith.constant 6 : i32
      %add3A_59 = arith.addi %sub3A, %add3A_58 : i32
      %get3A_60 = arith.index_cast %add3A_59 : i32 to index
      %get3A_61 = arith.constant 0 : index
      %get3A_62 = tpu.vector_load %arg4[%get3A_60, %get3A_61] {strides = array<i32>} : memref<3969x16xf32, #tpu.memory_space<vmem>>, vector<16xf32>,
      %add3A_63 = arith.constant 25 : i32
      %add3A_64 = arith.addi %mul3A_11, %add3A_63 : i32
      %broadcast_in_dim3A_65 = vector.broadcast %add3A_64 : i32 to vector<16xi32>
      tpu.vector_store_idx %arg5[%iota3A, %broadcast_in_dim3A_65], %get3A_62 : memref<16x2049xf32, #tpu.memory_space<vmem>>[vector<16xi32>, vector<16xi32>], vector<16xf32>,
      %add3A_66 = arith.constant 7 : i32
      %add3A_67 = arith.addi %sub3A, %add3A_66 : i32
      %get3A_68 = arith.index_cast %add3A_67 : i32 to index
      %get3A_69 = arith.constant 0 : index
      %get3A_70 = tpu.vector_load %arg4[%get3A_68, %get3A_69] {strides = array<i32>} : memref<3969x16xf32, #tpu.memory_space<vmem>>, vector<16xf32>,
      %add3A_71 = arith.constant 24 : i32
      %add3A_72 = arith.addi %mul3A_11, %add3A_71 : i32
      %broadcast_in_dim3A_73 = vector.broadcast %add3A_72 : i32 to vector<16xi32>
      tpu.vector_store_idx %arg5[%iota3A, %broadcast_in_dim3A_73], %get3A_70 : memref<16x2049xf32, #tpu.memory_space<vmem>>[vector<16xi32>, vector<16xi32>], vector<16xf32>,
      %add3A_74 = arith.constant 8 : i32
      %add3A_75 = arith.addi %sub3A, %add3A_74 : i32
      %get3A_76 = arith.index_cast %add3A_75 : i32 to index
      %get3A_77 = arith.constant 0 : index
      %get3A_78 = tpu.vector_load %arg4[%get3A_76, %get3A_77] {strides = array<i32>} : memref<3969x16xf32, #tpu.memory_space<vmem>>, vector<16xf32>,
      %add3A_79 = arith.constant 23 : i32
      %add3A_80 = arith.addi %mul3A_11, %add3A_79 : i32
      %broadcast_in_dim3A_81 = vector.broadcast %add3A_80 : i32 to vector<16xi32>
      tpu.vector_store_idx %arg5[%iota3A, %broadcast_in_dim3A_81], %get3A_78 : memref<16x2049xf32, #tpu.memory_space<vmem>>[vector<16xi32>, vector<16xi32>], vector<16xf32>,
      %add3A_82 = arith.constant 9 : i32
      %add3A_83 = arith.addi %sub3A, %add3A_82 : i32
      %get3A_84 = arith.index_cast %add3A_83 : i32 to index
      %get3A_85 = arith.constant 0 : index
      %get3A_86 = tpu.vector_load %arg4[%get3A_84, %get3A_85] {strides = array<i32>} : memref<3969x16xf32, #tpu.memory_space<vmem>>, vector<16xf32>,
      %add3A_87 = arith.constant 22 : i32
      %add3A_88 = arith.addi %mul3A_11, %add3A_87 : i32
      %broadcast_in_dim3A_89 = vector.broadcast %add3A_88 : i32 to vector<16xi32>
      tpu.vector_store_idx %arg5[%iota3A, %broadcast_in_dim3A_89], %get3A_86 : memref<16x2049xf32, #tpu.memory_space<vmem>>[vector<16xi32>, vector<16xi32>], vector<16xf32>,
      %add3A_90 = arith.constant 10 : i32
      %add3A_91 = arith.addi %sub3A, %add3A_90 : i32
      %get3A_92 = arith.index_cast %add3A_91 : i32 to index
      %get3A_93 = arith.constant 0 : index
      %get3A_94 = tpu.vector_load %arg4[%get3A_92, %get3A_93] {strides = array<i32>} : memref<3969x16xf32, #tpu.memory_space<vmem>>, vector<16xf32>,
      %add3A_95 = arith.constant 21 : i32
      %add3A_96 = arith.addi %mul3A_11, %add3A_95 : i32
      %broadcast_in_dim3A_97 = vector.broadcast %add3A_96 : i32 to vector<16xi32>
      tpu.vector_store_idx %arg5[%iota3A, %broadcast_in_dim3A_97], %get3A_94 : memref<16x2049xf32, #tpu.memory_space<vmem>>[vector<16xi32>, vector<16xi32>], vector<16xf32>,
      %add3A_98 = arith.constant 11 : i32
      %add3A_99 = arith.addi %sub3A, %add3A_98 : i32
      %get3A_100 = arith.index_cast %add3A_99 : i32 to index
      %get3A_101 = arith.constant 0 : index
      %get3A_102 = tpu.vector_load %arg4[%get3A_100, %get3A_101] {strides = array<i32>} : memref<3969x16xf32, #tpu.memory_space<vmem>>, vector<16xf32>,
      %add3A_103 = arith.constant 20 : i32
      %add3A_104 = arith.addi %mul3A_11, %add3A_103 : i32
      %broadcast_in_dim3A_105 = vector.broadcast %add3A_104 : i32 to vector<16xi32>
      tpu.vector_store_idx %arg5[%iota3A, %broadcast_in_dim3A_105], %get3A_102 : memref<16x2049xf32, #tpu.memory_space<vmem>>[vector<16xi32>, vector<16xi32>], vector<16xf32>,
      %add3A_106 = arith.constant 12 : i32
      %add3A_107 = arith.addi %sub3A, %add3A_106 : i32
      %get3A_108 = arith.index_cast %add3A_107 : i32 to index
      %get3A_109 = arith.constant 0 : index
      %get3A_110 = tpu.vector_load %arg4[%get3A_108, %get3A_109] {strides = array<i32>} : memref<3969x16xf32, #tpu.memory_space<vmem>>, vector<16xf32>,
      %add3A_111 = arith.constant 19 : i32
      %add3A_112 = arith.addi %mul3A_11, %add3A_111 : i32
      %broadcast_in_dim3A_113 = vector.broadcast %add3A_112 : i32 to vector<16xi32>
      tpu.vector_store_idx %arg5[%iota3A, %broadcast_in_dim3A_113], %get3A_110 : memref<16x2049xf32, #tpu.memory_space<vmem>>[vector<16xi32>, vector<16xi32>], vector<16xf32>,
      %add3A_114 = arith.constant 13 : i32
      %add3A_115 = arith.addi %sub3A, %add3A_114 : i32
      %get3A_116 = arith.index_cast %add3A_115 : i32 to index
      %get3A_117 = arith.constant 0 : index
      %get3A_118 = tpu.vector_load %arg4[%get3A_116, %get3A_117] {strides = array<i32>} : memref<3969x16xf32, #tpu.memory_space<vmem>>, vector<16xf32>,
      %add3A_119 = arith.constant 18 : i32
      %add3A_120 = arith.addi %mul3A_11, %add3A_119 : i32
      %broadcast_in_dim3A_121 = vector.broadcast %add3A_120 : i32 to vector<16xi32>
      tpu.vector_store_idx %arg5[%iota3A, %broadcast_in_dim3A_121], %get3A_118 : memref<16x2049xf32, #tpu.memory_space<vmem>>[vector<16xi32>, vector<16xi32>], vector<16xf32>,
      %add3A_122 = arith.constant 14 : i32
      %add3A_123 = arith.addi %sub3A, %add3A_122 : i32
      %get3A_124 = arith.index_cast %add3A_123 : i32 to index
      %get3A_125 = arith.constant 0 : index
      %get3A_126 = tpu.vector_load %arg4[%get3A_124, %get3A_125] {strides = array<i32>} : memref<3969x16xf32, #tpu.memory_space<vmem>>, vector<16xf32>,
      %add3A_127 = arith.constant 17 : i32
      %add3A_128 = arith.addi %mul3A_11, %add3A_127 : i32
      %broadcast_in_dim3A_129 = vector.broadcast %add3A_128 : i32 to vector<16xi32>
      tpu.vector_store_idx %arg5[%iota3A, %broadcast_in_dim3A_129], %get3A_126 : memref<16x2049xf32, #tpu.memory_space<vmem>>[vector<16xi32>, vector<16xi32>], vector<16xf32>,
      %add3A_130 = arith.constant 15 : i32
      %add3A_131 = arith.addi %sub3A, %add3A_130 : i32
      %get3A_132 = arith.index_cast %add3A_131 : i32 to index
      %get3A_133 = arith.constant 0 : index
      %get3A_134 = tpu.vector_load %arg4[%get3A_132, %get3A_133] {strides = array<i32>} : memref<3969x16xf32, #tpu.memory_space<vmem>>, vector<16xf32>,
      %add3A_135 = arith.constant 16 : i32
      %add3A_136 = arith.addi %mul3A_11, %add3A_135 : i32
      %broadcast_in_dim3A_137 = vector.broadcast %add3A_136 : i32 to vector<16xi32>
      tpu.vector_store_idx %arg5[%iota3A, %broadcast_in_dim3A_137], %get3A_134 : memref<16x2049xf32, #tpu.memory_space<vmem>>[vector<16xi32>, vector<16xi32>], vector<16xf32>,
      %add3A_138 = arith.constant 16 : i32
      %add3A_139 = arith.addi %sub3A, %add3A_138 : i32
      %get3A_140 = arith.index_cast %add3A_139 : i32 to index
      %get3A_141 = arith.constant 0 : index
      %get3A_142 = tpu.vector_load %arg4[%get3A_140, %get3A_141] {strides = array<i32>} : memref<3969x16xf32, #tpu.memory_space<vmem>>, vector<16xf32>,
      %add3A_143 = arith.constant 15 : i32
      %add3A_144 = arith.addi %mul3A_11, %add3A_143 : i32
      %broadcast_in_dim3A_145 = vector.broadcast %add3A_144 : i32 to vector<16xi32>
      tpu.vector_store_idx %arg5[%iota3A, %broadcast_in_dim3A_145], %get3A_142 : memref<16x2049xf32, #tpu.memory_space<vmem>>[vector<16xi32>, vector<16xi32>], vector<16xf32>,
      %add3A_146 = arith.constant 17 : i32
      %add3A_147 = arith.addi %sub3A, %add3A_146 : i32
      %get3A_148 = arith.index_cast %add3A_147 : i32 to index
      %get3A_149 = arith.constant 0 : index
      %get3A_150 = tpu.vector_load %arg4[%get3A_148, %get3A_149] {strides = array<i32>} : memref<3969x16xf32, #tpu.memory_space<vmem>>, vector<16xf32>,
      %add3A_151 = arith.constant 14 : i32
      %add3A_152 = arith.addi %mul3A_11, %add3A_151 : i32
      %broadcast_in_dim3A_153 = vector.broadcast %add3A_152 : i32 to vector<16xi32>
      tpu.vector_store_idx %arg5[%iota3A, %broadcast_in_dim3A_153], %get3A_150 : memref<16x2049xf32, #tpu.memory_space<vmem>>[vector<16xi32>, vector<16xi32>], vector<16xf32>,
      %add3A_154 = arith.constant 18 : i32
      %add3A_155 = arith.addi %sub3A, %add3A_154 : i32
      %get3A_156 = arith.index_cast %add3A_155 : i32 to index
      %get3A_157 = arith.constant 0 : index
      %get3A_158 = tpu.vector_load %arg4[%get3A_156, %get3A_157] {strides = array<i32>} : memref<3969x16xf32, #tpu.memory_space<vmem>>, vector<16xf32>,
      %add3A_159 = arith.constant 13 : i32
      %add3A_160 = arith.addi %mul3A_11, %add3A_159 : i32
      %broadcast_in_dim3A_161 = vector.broadcast %add3A_160 : i32 to vector<16xi32>
      tpu.vector_store_idx %arg5[%iota3A, %broadcast_in_dim3A_161], %get3A_158 : memref<16x2049xf32, #tpu.memory_space<vmem>>[vector<16xi32>, vector<16xi32>], vector<16xf32>,
      %add3A_162 = arith.constant 19 : i32
      %add3A_163 = arith.addi %sub3A, %add3A_162 : i32
      %get3A_164 = arith.index_cast %add3A_163 : i32 to index
      %get3A_165 = arith.constant 0 : index
      %get3A_166 = tpu.vector_load %arg4[%get3A_164, %get3A_165] {strides = array<i32>} : memref<3969x16xf32, #tpu.memory_space<vmem>>, vector<16xf32>,
      %add3A_167 = arith.constant 12 : i32
      %add3A_168 = arith.addi %mul3A_11, %add3A_167 : i32
      %broadcast_in_dim3A_169 = vector.broadcast %add3A_168 : i32 to vector<16xi32>
      tpu.vector_store_idx %arg5[%iota3A, %broadcast_in_dim3A_169], %get3A_166 : memref<16x2049xf32, #tpu.memory_space<vmem>>[vector<16xi32>, vector<16xi32>], vector<16xf32>,
      %add3A_170 = arith.constant 20 : i32
      %add3A_171 = arith.addi %sub3A, %add3A_170 : i32
      %get3A_172 = arith.index_cast %add3A_171 : i32 to index
      %get3A_173 = arith.constant 0 : index
      %get3A_174 = tpu.vector_load %arg4[%get3A_172, %get3A_173] {strides = array<i32>} : memref<3969x16xf32, #tpu.memory_space<vmem>>, vector<16xf32>,
      %add3A_175 = arith.constant 11 : i32
      %add3A_176 = arith.addi %mul3A_11, %add3A_175 : i32
      %broadcast_in_dim3A_177 = vector.broadcast %add3A_176 : i32 to vector<16xi32>
      tpu.vector_store_idx %arg5[%iota3A, %broadcast_in_dim3A_177], %get3A_174 : memref<16x2049xf32, #tpu.memory_space<vmem>>[vector<16xi32>, vector<16xi32>], vector<16xf32>,
      %add3A_178 = arith.constant 21 : i32
      %add3A_179 = arith.addi %sub3A, %add3A_178 : i32
      %get3A_180 = arith.index_cast %add3A_179 : i32 to index
      %get3A_181 = arith.constant 0 : index
      %get3A_182 = tpu.vector_load %arg4[%get3A_180, %get3A_181] {strides = array<i32>} : memref<3969x16xf32, #tpu.memory_space<vmem>>, vector<16xf32>,
      %add3A_183 = arith.constant 10 : i32
      %add3A_184 = arith.addi %mul3A_11, %add3A_183 : i32
      %broadcast_in_dim3A_185 = vector.broadcast %add3A_184 : i32 to vector<16xi32>
      tpu.vector_store_idx %arg5[%iota3A, %broadcast_in_dim3A_185], %get3A_182 : memref<16x2049xf32, #tpu.memory_space<vmem>>[vector<16xi32>, vector<16xi32>], vector<16xf32>,
      %add3A_186 = arith.constant 22 : i32
      %add3A_187 = arith.addi %sub3A, %add3A_186 : i32
      %get3A_188 = arith.index_cast %add3A_187 : i32 to index
      %get3A_189 = arith.constant 0 : index
      %get3A_190 = tpu.vector_load %arg4[%get3A_188, %get3A_189] {strides = array<i32>} : memref<3969x16xf32, #tpu.memory_space<vmem>>, vector<16xf32>,
      %add3A_191 = arith.constant 9 : i32
      %add3A_192 = arith.addi %mul3A_11, %add3A_191 : i32
      %broadcast_in_dim3A_193 = vector.broadcast %add3A_192 : i32 to vector<16xi32>
      tpu.vector_store_idx %arg5[%iota3A, %broadcast_in_dim3A_193], %get3A_190 : memref<16x2049xf32, #tpu.memory_space<vmem>>[vector<16xi32>, vector<16xi32>], vector<16xf32>,
      %add3A_194 = arith.constant 23 : i32
      %add3A_195 = arith.addi %sub3A, %add3A_194 : i32
      %get3A_196 = arith.index_cast %add3A_195 : i32 to index
      %get3A_197 = arith.constant 0 : index
      %get3A_198 = tpu.vector_load %arg4[%get3A_196, %get3A_197] {strides = array<i32>} : memref<3969x16xf32, #tpu.memory_space<vmem>>, vector<16xf32>,
      %add3A_199 = arith.constant 8 : i32
      %add3A_200 = arith.addi %mul3A_11, %add3A_199 : i32
      %broadcast_in_dim3A_201 = vector.broadcast %add3A_200 : i32 to vector<16xi32>
      tpu.vector_store_idx %arg5[%iota3A, %broadcast_in_dim3A_201], %get3A_198 : memref<16x2049xf32, #tpu.memory_space<vmem>>[vector<16xi32>, vector<16xi32>], vector<16xf32>,
      %add3A_202 = arith.constant 24 : i32
      %add3A_203 = arith.addi %sub3A, %add3A_202 : i32
      %get3A_204 = arith.index_cast %add3A_203 : i32 to index
      %get3A_205 = arith.constant 0 : index
      %get3A_206 = tpu.vector_load %arg4[%get3A_204, %get3A_205] {strides = array<i32>} : memref<3969x16xf32, #tpu.memory_space<vmem>>, vector<16xf32>,
      %add3A_207 = arith.constant 7 : i32
      %add3A_208 = arith.addi %mul3A_11, %add3A_207 : i32
      %broadcast_in_dim3A_209 = vector.broadcast %add3A_208 : i32 to vector<16xi32>
      tpu.vector_store_idx %arg5[%iota3A, %broadcast_in_dim3A_209], %get3A_206 : memref<16x2049xf32, #tpu.memory_space<vmem>>[vector<16xi32>, vector<16xi32>], vector<16xf32>,
      %add3A_210 = arith.constant 25 : i32
      %add3A_211 = arith.addi %sub3A, %add3A_210 : i32
      %get3A_212 = arith.index_cast %add3A_211 : i32 to index
      %get3A_213 = arith.constant 0 : index
      %get3A_214 = tpu.vector_load %arg4[%get3A_212, %get3A_213] {strides = array<i32>} : memref<3969x16xf32, #tpu.memory_space<vmem>>, vector<16xf32>,
      %add3A_215 = arith.constant 6 : i32
      %add3A_216 = arith.addi %mul3A_11, %add3A_215 : i32
      %broadcast_in_dim3A_217 = vector.broadcast %add3A_216 : i32 to vector<16xi32>
      tpu.vector_store_idx %arg5[%iota3A, %broadcast_in_dim3A_217], %get3A_214 : memref<16x2049xf32, #tpu.memory_space<vmem>>[vector<16xi32>, vector<16xi32>], vector<16xf32>,
      %add3A_218 = arith.constant 26 : i32
      %add3A_219 = arith.addi %sub3A, %add3A_218 : i32
      %get3A_220 = arith.index_cast %add3A_219 : i32 to index
      %get3A_221 = arith.constant 0 : index
      %get3A_222 = tpu.vector_load %arg4[%get3A_220, %get3A_221] {strides = array<i32>} : memref<3969x16xf32, #tpu.memory_space<vmem>>, vector<16xf32>,
      %add3A_223 = arith.constant 5 : i32
      %add3A_224 = arith.addi %mul3A_11, %add3A_223 : i32
      %broadcast_in_dim3A_225 = vector.broadcast %add3A_224 : i32 to vector<16xi32>
      tpu.vector_store_idx %arg5[%iota3A, %broadcast_in_dim3A_225], %get3A_222 : memref<16x2049xf32, #tpu.memory_space<vmem>>[vector<16xi32>, vector<16xi32>], vector<16xf32>,
      %add3A_226 = arith.constant 27 : i32
      %add3A_227 = arith.addi %sub3A, %add3A_226 : i32
      %get3A_228 = arith.index_cast %add3A_227 : i32 to index
      %get3A_229 = arith.constant 0 : index
      %get3A_230 = tpu.vector_load %arg4[%get3A_228, %get3A_229] {strides = array<i32>} : memref<3969x16xf32, #tpu.memory_space<vmem>>, vector<16xf32>,
      %add3A_231 = arith.constant 4 : i32
      %add3A_232 = arith.addi %mul3A_11, %add3A_231 : i32
      %broadcast_in_dim3A_233 = vector.broadcast %add3A_232 : i32 to vector<16xi32>
      tpu.vector_store_idx %arg5[%iota3A, %broadcast_in_dim3A_233], %get3A_230 : memref<16x2049xf32, #tpu.memory_space<vmem>>[vector<16xi32>, vector<16xi32>], vector<16xf32>,
      %add3A_234 = arith.constant 28 : i32
      %add3A_235 = arith.addi %sub3A, %add3A_234 : i32
      %get3A_236 = arith.index_cast %add3A_235 : i32 to index
      %get3A_237 = arith.constant 0 : index
      %get3A_238 = tpu.vector_load %arg4[%get3A_236, %get3A_237] {strides = array<i32>} : memref<3969x16xf32, #tpu.memory_space<vmem>>, vector<16xf32>,
      %add3A_239 = arith.constant 3 : i32
      %add3A_240 = arith.addi %mul3A_11, %add3A_239 : i32
      %broadcast_in_dim3A_241 = vector.broadcast %add3A_240 : i32 to vector<16xi32>
      tpu.vector_store_idx %arg5[%iota3A, %broadcast_in_dim3A_241], %get3A_238 : memref<16x2049xf32, #tpu.memory_space<vmem>>[vector<16xi32>, vector<16xi32>], vector<16xf32>,
      %add3A_242 = arith.constant 29 : i32
      %add3A_243 = arith.addi %sub3A, %add3A_242 : i32
      %get3A_244 = arith.index_cast %add3A_243 : i32 to index
      %get3A_245 = arith.constant 0 : index
      %get3A_246 = tpu.vector_load %arg4[%get3A_244, %get3A_245] {strides = array<i32>} : memref<3969x16xf32, #tpu.memory_space<vmem>>, vector<16xf32>,
      %add3A_247 = arith.constant 2 : i32
      %add3A_248 = arith.addi %mul3A_11, %add3A_247 : i32
      %broadcast_in_dim3A_249 = vector.broadcast %add3A_248 : i32 to vector<16xi32>
      tpu.vector_store_idx %arg5[%iota3A, %broadcast_in_dim3A_249], %get3A_246 : memref<16x2049xf32, #tpu.memory_space<vmem>>[vector<16xi32>, vector<16xi32>], vector<16xf32>,
      %add3A_250 = arith.constant 30 : i32
      %add3A_251 = arith.addi %sub3A, %add3A_250 : i32
      %get3A_252 = arith.index_cast %add3A_251 : i32 to index
      %get3A_253 = arith.constant 0 : index
      %get3A_254 = tpu.vector_load %arg4[%get3A_252, %get3A_253] {strides = array<i32>} : memref<3969x16xf32, #tpu.memory_space<vmem>>, vector<16xf32>,
      %add3A_255 = arith.constant 1 : i32
      %add3A_256 = arith.addi %mul3A_11, %add3A_255 : i32
      %broadcast_in_dim3A_257 = vector.broadcast %add3A_256 : i32 to vector<16xi32>
      tpu.vector_store_idx %arg5[%iota3A, %broadcast_in_dim3A_257], %get3A_254 : memref<16x2049xf32, #tpu.memory_space<vmem>>[vector<16xi32>, vector<16xi32>], vector<16xf32>,
      %add3A_258 = arith.constant 31 : i32
      %add3A_259 = arith.addi %sub3A, %add3A_258 : i32
      %get3A_260 = arith.index_cast %add3A_259 : i32 to index
      %get3A_261 = arith.constant 0 : index
      %get3A_262 = tpu.vector_load %arg4[%get3A_260, %get3A_261] {strides = array<i32>} : memref<3969x16xf32, #tpu.memory_space<vmem>>, vector<16xf32>,
      %add3A_263 = arith.constant 0 : i32
      %add3A_264 = arith.addi %mul3A_11, %add3A_263 : i32
      %broadcast_in_dim3A_265 = vector.broadcast %add3A_264 : i32 to vector<16xi32>
      tpu.vector_store_idx %arg5[%iota3A, %broadcast_in_dim3A_265], %get3A_262 : memref<16x2049xf32, #tpu.memory_space<vmem>>[vector<16xi32>, vector<16xi32>], vector<16xf32>,
    }
    %scan3A_6 = arith.constant 63 : i32
    "tpu.region"() ({
      %run_scoped3A = tpu.sem_alloc : memref<!tpu.dma_semaphore, #tpu.memory_space<semaphore_mem>>
      %dma_start3A = arith.constant 0 : i32
      %dma_start3A_7 = arith.constant 0 : i32
      %dma_start3A_8 = tpu.memref_slice %arg5[%dma_start3A, %dma_start3A_7] : memref<16x2049xf32, #tpu.memory_space<vmem>> -> memref<16x2048xf32, #tpu.memory_space<vmem>>
      %dma_start3A_9 = arith.constant 0 : i32
      %dma_start3A_10 = arith.constant 0 : i32
      %dma_start3A_11 = tpu.memref_slice %arg3[%dma_start3A_9, %add3A, %dma_start3A_10] : memref<16x32x2048xf32, #tpu.memory_space<hbm>> -> memref<16x1x2048xf32, #tpu.memory_space<hbm>>
      %dma_start3A_12 = tpu.memref_squeeze %dma_start3A_11 : memref<16x1x2048xf32, #tpu.memory_space<hbm>> -> memref<16x2048xf32, #tpu.memory_space<hbm>>
      %dma_start3A_13 = arith.constant 0 : i32
      %dma_start3A_14 = arith.constant 0 : i32
      %dma_start3A_15 = tpu.memref_slice %arg3[%dma_start3A_13, %add3A, %dma_start3A_14] : memref<16x32x2048xf32, #tpu.memory_space<hbm>> -> memref<16x1x2048xf32, #tpu.memory_space<hbm>>
      %dma_start3A_16 = tpu.memref_squeeze %dma_start3A_15 : memref<16x1x2048xf32, #tpu.memory_space<hbm>> -> memref<16x2048xf32, #tpu.memory_space<hbm>>
      %dma_start3A_17 = arith.constant 0 : i32
      %dma_start3A_18 = arith.constant 0 : i32
      %dma_start3A_19 = tpu.memref_slice %arg5[%dma_start3A_17, %dma_start3A_18] : memref<16x2049xf32, #tpu.memory_space<vmem>> -> memref<16x2048xf32, #tpu.memory_space<vmem>>
      tpu.enqueue_dma source(%dma_start3A_19 : memref<16x2048xf32, #tpu.memory_space<vmem>>) target(%dma_start3A_16 : memref<16x2048xf32, #tpu.memory_space<hbm>>) target_semaphore(%run_scoped3A : memref<!tpu.dma_semaphore, #tpu.memory_space<semaphore_mem>>)
      %dma_wait3A = arith.constant 0 : i32
      %dma_wait3A_20 = arith.constant 0 : i32
      %dma_wait3A_21 = tpu.memref_slice %arg5[%dma_wait3A, %dma_wait3A_20] : memref<16x2049xf32, #tpu.memory_space<vmem>> -> memref<16x2048xf32, #tpu.memory_space<vmem>>
      %dma_wait3A_22 = arith.constant 0 : i32
      %dma_wait3A_23 = arith.constant 0 : i32
      %dma_wait3A_24 = tpu.memref_slice %arg3[%dma_wait3A_22, %add3A, %dma_wait3A_23] : memref<16x32x2048xf32, #tpu.memory_space<hbm>> -> memref<16x1x2048xf32, #tpu.memory_space<hbm>>
      %dma_wait3A_25 = tpu.memref_squeeze %dma_wait3A_24 : memref<16x1x2048xf32, #tpu.memory_space<hbm>> -> memref<16x2048xf32, #tpu.memory_space<hbm>>
      %dma_wait3A_26 = arith.constant 0 : i32
      %dma_wait3A_27 = arith.constant 0 : i32
      %dma_wait3A_28 = tpu.memref_slice %arg3[%dma_wait3A_26, %add3A, %dma_wait3A_27] : memref<16x32x2048xf32, #tpu.memory_space<hbm>> -> memref<16x1x2048xf32, #tpu.memory_space<hbm>>
      %dma_wait3A_29 = tpu.memref_squeeze %dma_wait3A_28 : memref<16x1x2048xf32, #tpu.memory_space<hbm>> -> memref<16x2048xf32, #tpu.memory_space<hbm>>
      %dma_wait3A_30 = arith.constant 0 : i32
      %dma_wait3A_31 = arith.constant 0 : i32
      %dma_wait3A_32 = tpu.memref_slice %arg5[%dma_wait3A_30, %dma_wait3A_31] : memref<16x2049xf32, #tpu.memory_space<vmem>> -> memref<16x2048xf32, #tpu.memory_space<vmem>>
      tpu.wait_dma2 semaphore(%run_scoped3A : memref<!tpu.dma_semaphore, #tpu.memory_space<semaphore_mem>>) src(%dma_wait3A_32 : memref<16x2048xf32, #tpu.memory_space<vmem>>) dst(%dma_wait3A_29 : memref<16x2048xf32, #tpu.memory_space<hbm>>)
      tpu.yield
    }) : () -> ()
    return
  }
}

module attributes {stable_mosaic.version = 14 : i64} {
  func.func @_tc_expand(%arg0: i32, %arg1: memref<16x32x2048xf32, #tpu.memory_space<any>>, %arg2: memref<2x1024x1024xf32, #tpu.memory_space<vmem>>, %arg3: memref<4x32x2048xf32, #tpu.memory_space<vmem>>, %arg4: memref<4x!tpu.dma_semaphore, #tpu.memory_space<semaphore_mem>>) attributes {dimension_semantics = [#tpu.dimension_semantics<arbitrary>], iteration_bounds = array<i64: 8>, scalar_prefetch = 0 : i64, scratch_operands = 2 : i64, tpu.core_type = #tpu.core_type<tc>, window_params = [{}, {transform_indices = @transform_1, window_bounds = array<i64: 2, 1024, 1024>}]} {
    %rem3A = arith.constant 2 : i32
    %rem3A_0 = arith.remsi %arg0, %rem3A : i32
    %mul3A = arith.constant 2 : i32
    %mul3A_1 = arith.muli %mul3A, %rem3A_0 : i32
    %add3A = arith.constant 1 : i32
    %add3A_2 = arith.addi %arg0, %add3A : i32
    %rem3A_3 = arith.constant 2 : i32
    %rem3A_4 = arith.remsi %add3A_2, %rem3A_3 : i32
    %mul3A_5 = arith.constant 2 : i32
    %mul3A_6 = arith.muli %mul3A_5, %rem3A_4 : i32
    %eq3A = arith.constant 0 : i32
    %eq3A_7 = arith.cmpi eq, %arg0, %eq3A : i32
    %convert_element_type3A = arith.extui %eq3A_7 : i1 to i32
    %cond3A = arith.constant 0 : i32
    %cond3A_8 = arith.cmpi ne, %convert_element_type3A, %cond3A : i32
    scf.if %cond3A_8 {
      %dma_start3A = arith.constant 0 : i32
      %dma_start3A_509 = arith.constant 0 : i32
      %dma_start3A_510 = arith.constant 0 : i32
      %dma_start3A_511 = tpu.memref_slice %arg4[%dma_start3A_510] : memref<4x!tpu.dma_semaphore, #tpu.memory_space<semaphore_mem>> -> memref<1x!tpu.dma_semaphore, #tpu.memory_space<semaphore_mem>>
      %dma_start3A_512 = tpu.memref_squeeze %dma_start3A_511 : memref<1x!tpu.dma_semaphore, #tpu.memory_space<semaphore_mem>> -> memref<!tpu.dma_semaphore, #tpu.memory_space<semaphore_mem>>
      %dma_start3A_513 = arith.constant 0 : i32
      %dma_start3A_514 = arith.constant 0 : i32
      %dma_start3A_515 = tpu.memref_slice %arg3[%dma_start3A_509, %dma_start3A_513, %dma_start3A_514] : memref<4x32x2048xf32, #tpu.memory_space<vmem>> -> memref<1x32x2048xf32, #tpu.memory_space<vmem>>
      %dma_start3A_516 = tpu.memref_squeeze %dma_start3A_515 : memref<1x32x2048xf32, #tpu.memory_space<vmem>> -> memref<32x2048xf32, #tpu.memory_space<vmem>>
      %dma_start3A_517 = arith.constant 0 : i32
      %dma_start3A_518 = arith.constant 0 : i32
      %dma_start3A_519 = tpu.memref_slice %arg1[%dma_start3A, %dma_start3A_517, %dma_start3A_518] : memref<16x32x2048xf32, #tpu.memory_space<any>> -> memref<1x32x2048xf32, #tpu.memory_space<any>>
      %dma_start3A_520 = tpu.memref_squeeze %dma_start3A_519 : memref<1x32x2048xf32, #tpu.memory_space<any>> -> memref<32x2048xf32, #tpu.memory_space<any>>
      tpu.enqueue_dma source(%dma_start3A_520 : memref<32x2048xf32, #tpu.memory_space<any>>) target(%dma_start3A_516 : memref<32x2048xf32, #tpu.memory_space<vmem>>) target_semaphore(%dma_start3A_512 : memref<!tpu.dma_semaphore, #tpu.memory_space<semaphore_mem>>)
      %dma_start3A_521 = arith.constant 1 : i32
      %dma_start3A_522 = arith.constant 1 : i32
      %dma_start3A_523 = arith.constant 1 : i32
      %dma_start3A_524 = tpu.memref_slice %arg4[%dma_start3A_523] : memref<4x!tpu.dma_semaphore, #tpu.memory_space<semaphore_mem>> -> memref<1x!tpu.dma_semaphore, #tpu.memory_space<semaphore_mem>>
      %dma_start3A_525 = tpu.memref_squeeze %dma_start3A_524 : memref<1x!tpu.dma_semaphore, #tpu.memory_space<semaphore_mem>> -> memref<!tpu.dma_semaphore, #tpu.memory_space<semaphore_mem>>
      %dma_start3A_526 = arith.constant 0 : i32
      %dma_start3A_527 = arith.constant 0 : i32
      %dma_start3A_528 = tpu.memref_slice %arg3[%dma_start3A_522, %dma_start3A_526, %dma_start3A_527] : memref<4x32x2048xf32, #tpu.memory_space<vmem>> -> memref<1x32x2048xf32, #tpu.memory_space<vmem>>
      %dma_start3A_529 = tpu.memref_squeeze %dma_start3A_528 : memref<1x32x2048xf32, #tpu.memory_space<vmem>> -> memref<32x2048xf32, #tpu.memory_space<vmem>>
      %dma_start3A_530 = arith.constant 0 : i32
      %dma_start3A_531 = arith.constant 0 : i32
      %dma_start3A_532 = tpu.memref_slice %arg1[%dma_start3A_521, %dma_start3A_530, %dma_start3A_531] : memref<16x32x2048xf32, #tpu.memory_space<any>> -> memref<1x32x2048xf32, #tpu.memory_space<any>>
      %dma_start3A_533 = tpu.memref_squeeze %dma_start3A_532 : memref<1x32x2048xf32, #tpu.memory_space<any>> -> memref<32x2048xf32, #tpu.memory_space<any>>
      tpu.enqueue_dma source(%dma_start3A_533 : memref<32x2048xf32, #tpu.memory_space<any>>) target(%dma_start3A_529 : memref<32x2048xf32, #tpu.memory_space<vmem>>) target_semaphore(%dma_start3A_525 : memref<!tpu.dma_semaphore, #tpu.memory_space<semaphore_mem>>)
    } else {
    }
    %add3A_9 = arith.constant 1 : i32
    %add3A_10 = arith.addi %arg0, %add3A_9 : i32
    %lt3A = arith.constant 8 : i32
    %lt3A_11 = arith.cmpi slt, %add3A_10, %lt3A : i32
    %convert_element_type3A_12 = arith.extui %lt3A_11 : i1 to i32
    %cond3A_13 = arith.constant 0 : i32
    %cond3A_14 = arith.cmpi ne, %convert_element_type3A_12, %cond3A_13 : i32
    scf.if %cond3A_14 {
      %mul3A_509 = arith.constant 2 : i32
      %mul3A_510 = arith.muli %mul3A_509, %arg0 : i32
      %add3A_511 = arith.constant 2 : i32
      %add3A_512 = arith.addi %mul3A_510, %add3A_511 : i32
      %dma_start3A = tpu.memref_slice %arg4[%mul3A_6] : memref<4x!tpu.dma_semaphore, #tpu.memory_space<semaphore_mem>> -> memref<1x!tpu.dma_semaphore, #tpu.memory_space<semaphore_mem>>
      %dma_start3A_513 = tpu.memref_squeeze %dma_start3A : memref<1x!tpu.dma_semaphore, #tpu.memory_space<semaphore_mem>> -> memref<!tpu.dma_semaphore, #tpu.memory_space<semaphore_mem>>
      %dma_start3A_514 = arith.constant 0 : i32
      %dma_start3A_515 = arith.constant 0 : i32
      %dma_start3A_516 = tpu.memref_slice %arg3[%mul3A_6, %dma_start3A_514, %dma_start3A_515] : memref<4x32x2048xf32, #tpu.memory_space<vmem>> -> memref<1x32x2048xf32, #tpu.memory_space<vmem>>
      %dma_start3A_517 = tpu.memref_squeeze %dma_start3A_516 : memref<1x32x2048xf32, #tpu.memory_space<vmem>> -> memref<32x2048xf32, #tpu.memory_space<vmem>>
      %dma_start3A_518 = arith.constant 0 : i32
      %dma_start3A_519 = arith.constant 0 : i32
      %dma_start3A_520 = tpu.memref_slice %arg1[%add3A_512, %dma_start3A_518, %dma_start3A_519] : memref<16x32x2048xf32, #tpu.memory_space<any>> -> memref<1x32x2048xf32, #tpu.memory_space<any>>
      %dma_start3A_521 = tpu.memref_squeeze %dma_start3A_520 : memref<1x32x2048xf32, #tpu.memory_space<any>> -> memref<32x2048xf32, #tpu.memory_space<any>>
      tpu.enqueue_dma source(%dma_start3A_521 : memref<32x2048xf32, #tpu.memory_space<any>>) target(%dma_start3A_517 : memref<32x2048xf32, #tpu.memory_space<vmem>>) target_semaphore(%dma_start3A_513 : memref<!tpu.dma_semaphore, #tpu.memory_space<semaphore_mem>>)
      %mul3A_522 = arith.constant 2 : i32
      %mul3A_523 = arith.muli %mul3A_522, %arg0 : i32
      %add3A_524 = arith.constant 3 : i32
      %add3A_525 = arith.addi %mul3A_523, %add3A_524 : i32
      %add3A_526 = arith.constant 1 : i32
      %add3A_527 = arith.addi %mul3A_6, %add3A_526 : i32
      %add3A_528 = arith.constant 1 : i32
      %add3A_529 = arith.addi %mul3A_6, %add3A_528 : i32
      %dma_start3A_530 = tpu.memref_slice %arg4[%add3A_529] : memref<4x!tpu.dma_semaphore, #tpu.memory_space<semaphore_mem>> -> memref<1x!tpu.dma_semaphore, #tpu.memory_space<semaphore_mem>>
      %dma_start3A_531 = tpu.memref_squeeze %dma_start3A_530 : memref<1x!tpu.dma_semaphore, #tpu.memory_space<semaphore_mem>> -> memref<!tpu.dma_semaphore, #tpu.memory_space<semaphore_mem>>
      %dma_start3A_532 = arith.constant 0 : i32
      %dma_start3A_533 = arith.constant 0 : i32
      %dma_start3A_534 = tpu.memref_slice %arg3[%add3A_527, %dma_start3A_532, %dma_start3A_533] : memref<4x32x2048xf32, #tpu.memory_space<vmem>> -> memref<1x32x2048xf32, #tpu.memory_space<vmem>>
      %dma_start3A_535 = tpu.memref_squeeze %dma_start3A_534 : memref<1x32x2048xf32, #tpu.memory_space<vmem>> -> memref<32x2048xf32, #tpu.memory_space<vmem>>
      %dma_start3A_536 = arith.constant 0 : i32
      %dma_start3A_537 = arith.constant 0 : i32
      %dma_start3A_538 = tpu.memref_slice %arg1[%add3A_525, %dma_start3A_536, %dma_start3A_537] : memref<16x32x2048xf32, #tpu.memory_space<any>> -> memref<1x32x2048xf32, #tpu.memory_space<any>>
      %dma_start3A_539 = tpu.memref_squeeze %dma_start3A_538 : memref<1x32x2048xf32, #tpu.memory_space<any>> -> memref<32x2048xf32, #tpu.memory_space<any>>
      tpu.enqueue_dma source(%dma_start3A_539 : memref<32x2048xf32, #tpu.memory_space<any>>) target(%dma_start3A_535 : memref<32x2048xf32, #tpu.memory_space<vmem>>) target_semaphore(%dma_start3A_531 : memref<!tpu.dma_semaphore, #tpu.memory_space<semaphore_mem>>)
    } else {
    }
    %mul3A_15 = arith.constant 2 : i32
    %mul3A_16 = arith.muli %mul3A_15, %arg0 : i32
    %add3A_17 = arith.constant 0 : i32
    %add3A_18 = arith.addi %mul3A_16, %add3A_17 : i32
    %add3A_19 = arith.constant 0 : i32
    %add3A_20 = arith.addi %mul3A_1, %add3A_19 : i32
    %add3A_21 = arith.constant 0 : i32
    %add3A_22 = arith.addi %mul3A_1, %add3A_21 : i32
    %dma_wait3A = tpu.memref_slice %arg4[%add3A_22] : memref<4x!tpu.dma_semaphore, #tpu.memory_space<semaphore_mem>> -> memref<1x!tpu.dma_semaphore, #tpu.memory_space<semaphore_mem>>
    %dma_wait3A_23 = tpu.memref_squeeze %dma_wait3A : memref<1x!tpu.dma_semaphore, #tpu.memory_space<semaphore_mem>> -> memref<!tpu.dma_semaphore, #tpu.memory_space<semaphore_mem>>
    %dma_wait3A_24 = arith.constant 0 : i32
    %dma_wait3A_25 = arith.constant 0 : i32
    %dma_wait3A_26 = tpu.memref_slice %arg3[%add3A_20, %dma_wait3A_24, %dma_wait3A_25] : memref<4x32x2048xf32, #tpu.memory_space<vmem>> -> memref<1x32x2048xf32, #tpu.memory_space<vmem>>
    %dma_wait3A_27 = tpu.memref_squeeze %dma_wait3A_26 : memref<1x32x2048xf32, #tpu.memory_space<vmem>> -> memref<32x2048xf32, #tpu.memory_space<vmem>>
    %dma_wait3A_28 = arith.constant 0 : i32
    %dma_wait3A_29 = arith.constant 0 : i32
    %dma_wait3A_30 = tpu.memref_slice %arg1[%add3A_18, %dma_wait3A_28, %dma_wait3A_29] : memref<16x32x2048xf32, #tpu.memory_space<any>> -> memref<1x32x2048xf32, #tpu.memory_space<any>>
    %dma_wait3A_31 = tpu.memref_squeeze %dma_wait3A_30 : memref<1x32x2048xf32, #tpu.memory_space<any>> -> memref<32x2048xf32, #tpu.memory_space<any>>
    tpu.wait_dma2 semaphore(%dma_wait3A_23 : memref<!tpu.dma_semaphore, #tpu.memory_space<semaphore_mem>>) src(%dma_wait3A_31 : memref<32x2048xf32, #tpu.memory_space<any>>) dst(%dma_wait3A_27 : memref<32x2048xf32, #tpu.memory_space<vmem>>)
    %add3A_32 = arith.constant 0 : i32
    %add3A_33 = arith.addi %mul3A_1, %add3A_32 : i32
    %get3A = arith.index_cast %add3A_33 : i32 to index
    %get3A_34 = arith.constant 0 : index
    %get3A_35 = arith.constant 0 : index
    %get3A_36 = vector.load %arg3[%get3A, %get3A_34, %get3A_35] : memref<4x32x2048xf32, #tpu.memory_space<vmem>>, vector<1x32x2048xf32>
    %get3A_37 = vector.shape_cast %get3A_36 : vector<1x32x2048xf32> to vector<32x2048xf32>
    %slice3A = vector.extract_strided_slice %get3A_37 {offsets = [0, 992], sizes = [32, 1024], strides = [1, 1]} : vector<32x2048xf32> to vector<32x1024xf32>
    %swap3A = arith.constant 0 : index
    %swap3A_38 = arith.constant 0 : index
    %swap3A_39 = arith.constant 0 : index
    %swap3A_40 = vector.load %arg2[%swap3A, %swap3A_38, %swap3A_39] : memref<2x1024x1024xf32, #tpu.memory_space<vmem>>, vector<1x32x1024xf32>
    %swap3A_41 = vector.shape_cast %swap3A_40 : vector<1x32x1024xf32> to vector<32x1024xf32>
    %swap3A_42 = vector.shape_cast %slice3A : vector<32x1024xf32> to vector<1x32x1024xf32>
    tpu.vector_store %arg2[%swap3A, %swap3A_38, %swap3A_39], %swap3A_42 {strides = array<i32>} : memref<2x1024x1024xf32, #tpu.memory_space<vmem>>, vector<1x32x1024xf32>,
    %slice3A_43 = vector.extract_strided_slice %get3A_37 {offsets = [0, 960], sizes = [32, 1024], strides = [1, 1]} : vector<32x2048xf32> to vector<32x1024xf32>
    %swap3A_44 = arith.constant 0 : index
    %swap3A_45 = arith.constant 32 : index
    %swap3A_46 = arith.constant 0 : index
    %swap3A_47 = vector.load %arg2[%swap3A_44, %swap3A_45, %swap3A_46] : memref<2x1024x1024xf32, #tpu.memory_space<vmem>>, vector<1x32x1024xf32>
    %swap3A_48 = vector.shape_cast %swap3A_47 : vector<1x32x1024xf32> to vector<32x1024xf32>
    %swap3A_49 = vector.shape_cast %slice3A_43 : vector<32x1024xf32> to vector<1x32x1024xf32>
    tpu.vector_store %arg2[%swap3A_44, %swap3A_45, %swap3A_46], %swap3A_49 {strides = array<i32>} : memref<2x1024x1024xf32, #tpu.memory_space<vmem>>, vector<1x32x1024xf32>,
    %slice3A_50 = vector.extract_strided_slice %get3A_37 {offsets = [0, 928], sizes = [32, 1024], strides = [1, 1]} : vector<32x2048xf32> to vector<32x1024xf32>
    %swap3A_51 = arith.constant 0 : index
    %swap3A_52 = arith.constant 64 : index
    %swap3A_53 = arith.constant 0 : index
    %swap3A_54 = vector.load %arg2[%swap3A_51, %swap3A_52, %swap3A_53] : memref<2x1024x1024xf32, #tpu.memory_space<vmem>>, vector<1x32x1024xf32>
    %swap3A_55 = vector.shape_cast %swap3A_54 : vector<1x32x1024xf32> to vector<32x1024xf32>
    %swap3A_56 = vector.shape_cast %slice3A_50 : vector<32x1024xf32> to vector<1x32x1024xf32>
    tpu.vector_store %arg2[%swap3A_51, %swap3A_52, %swap3A_53], %swap3A_56 {strides = array<i32>} : memref<2x1024x1024xf32, #tpu.memory_space<vmem>>, vector<1x32x1024xf32>,
    %slice3A_57 = vector.extract_strided_slice %get3A_37 {offsets = [0, 896], sizes = [32, 1024], strides = [1, 1]} : vector<32x2048xf32> to vector<32x1024xf32>
    %swap3A_58 = arith.constant 0 : index
    %swap3A_59 = arith.constant 96 : index
    %swap3A_60 = arith.constant 0 : index
    %swap3A_61 = vector.load %arg2[%swap3A_58, %swap3A_59, %swap3A_60] : memref<2x1024x1024xf32, #tpu.memory_space<vmem>>, vector<1x32x1024xf32>
    %swap3A_62 = vector.shape_cast %swap3A_61 : vector<1x32x1024xf32> to vector<32x1024xf32>
    %swap3A_63 = vector.shape_cast %slice3A_57 : vector<32x1024xf32> to vector<1x32x1024xf32>
    tpu.vector_store %arg2[%swap3A_58, %swap3A_59, %swap3A_60], %swap3A_63 {strides = array<i32>} : memref<2x1024x1024xf32, #tpu.memory_space<vmem>>, vector<1x32x1024xf32>,
    %slice3A_64 = vector.extract_strided_slice %get3A_37 {offsets = [0, 864], sizes = [32, 1024], strides = [1, 1]} : vector<32x2048xf32> to vector<32x1024xf32>
    %swap3A_65 = arith.constant 0 : index
    %swap3A_66 = arith.constant 128 : index
    %swap3A_67 = arith.constant 0 : index
    %swap3A_68 = vector.load %arg2[%swap3A_65, %swap3A_66, %swap3A_67] : memref<2x1024x1024xf32, #tpu.memory_space<vmem>>, vector<1x32x1024xf32>
    %swap3A_69 = vector.shape_cast %swap3A_68 : vector<1x32x1024xf32> to vector<32x1024xf32>
    %swap3A_70 = vector.shape_cast %slice3A_64 : vector<32x1024xf32> to vector<1x32x1024xf32>
    tpu.vector_store %arg2[%swap3A_65, %swap3A_66, %swap3A_67], %swap3A_70 {strides = array<i32>} : memref<2x1024x1024xf32, #tpu.memory_space<vmem>>, vector<1x32x1024xf32>,
    %slice3A_71 = vector.extract_strided_slice %get3A_37 {offsets = [0, 832], sizes = [32, 1024], strides = [1, 1]} : vector<32x2048xf32> to vector<32x1024xf32>
    %swap3A_72 = arith.constant 0 : index
    %swap3A_73 = arith.constant 160 : index
    %swap3A_74 = arith.constant 0 : index
    %swap3A_75 = vector.load %arg2[%swap3A_72, %swap3A_73, %swap3A_74] : memref<2x1024x1024xf32, #tpu.memory_space<vmem>>, vector<1x32x1024xf32>
    %swap3A_76 = vector.shape_cast %swap3A_75 : vector<1x32x1024xf32> to vector<32x1024xf32>
    %swap3A_77 = vector.shape_cast %slice3A_71 : vector<32x1024xf32> to vector<1x32x1024xf32>
    tpu.vector_store %arg2[%swap3A_72, %swap3A_73, %swap3A_74], %swap3A_77 {strides = array<i32>} : memref<2x1024x1024xf32, #tpu.memory_space<vmem>>, vector<1x32x1024xf32>,
    %slice3A_78 = vector.extract_strided_slice %get3A_37 {offsets = [0, 800], sizes = [32, 1024], strides = [1, 1]} : vector<32x2048xf32> to vector<32x1024xf32>
    %swap3A_79 = arith.constant 0 : index
    %swap3A_80 = arith.constant 192 : index
    %swap3A_81 = arith.constant 0 : index
    %swap3A_82 = vector.load %arg2[%swap3A_79, %swap3A_80, %swap3A_81] : memref<2x1024x1024xf32, #tpu.memory_space<vmem>>, vector<1x32x1024xf32>
    %swap3A_83 = vector.shape_cast %swap3A_82 : vector<1x32x1024xf32> to vector<32x1024xf32>
    %swap3A_84 = vector.shape_cast %slice3A_78 : vector<32x1024xf32> to vector<1x32x1024xf32>
    tpu.vector_store %arg2[%swap3A_79, %swap3A_80, %swap3A_81], %swap3A_84 {strides = array<i32>} : memref<2x1024x1024xf32, #tpu.memory_space<vmem>>, vector<1x32x1024xf32>,
    %slice3A_85 = vector.extract_strided_slice %get3A_37 {offsets = [0, 768], sizes = [32, 1024], strides = [1, 1]} : vector<32x2048xf32> to vector<32x1024xf32>
    %swap3A_86 = arith.constant 0 : index
    %swap3A_87 = arith.constant 224 : index
    %swap3A_88 = arith.constant 0 : index
    %swap3A_89 = vector.load %arg2[%swap3A_86, %swap3A_87, %swap3A_88] : memref<2x1024x1024xf32, #tpu.memory_space<vmem>>, vector<1x32x1024xf32>
    %swap3A_90 = vector.shape_cast %swap3A_89 : vector<1x32x1024xf32> to vector<32x1024xf32>
    %swap3A_91 = vector.shape_cast %slice3A_85 : vector<32x1024xf32> to vector<1x32x1024xf32>
    tpu.vector_store %arg2[%swap3A_86, %swap3A_87, %swap3A_88], %swap3A_91 {strides = array<i32>} : memref<2x1024x1024xf32, #tpu.memory_space<vmem>>, vector<1x32x1024xf32>,
    %slice3A_92 = vector.extract_strided_slice %get3A_37 {offsets = [0, 736], sizes = [32, 1024], strides = [1, 1]} : vector<32x2048xf32> to vector<32x1024xf32>
    %swap3A_93 = arith.constant 0 : index
    %swap3A_94 = arith.constant 256 : index
    %swap3A_95 = arith.constant 0 : index
    %swap3A_96 = vector.load %arg2[%swap3A_93, %swap3A_94, %swap3A_95] : memref<2x1024x1024xf32, #tpu.memory_space<vmem>>, vector<1x32x1024xf32>
    %swap3A_97 = vector.shape_cast %swap3A_96 : vector<1x32x1024xf32> to vector<32x1024xf32>
    %swap3A_98 = vector.shape_cast %slice3A_92 : vector<32x1024xf32> to vector<1x32x1024xf32>
    tpu.vector_store %arg2[%swap3A_93, %swap3A_94, %swap3A_95], %swap3A_98 {strides = array<i32>} : memref<2x1024x1024xf32, #tpu.memory_space<vmem>>, vector<1x32x1024xf32>,
    %slice3A_99 = vector.extract_strided_slice %get3A_37 {offsets = [0, 704], sizes = [32, 1024], strides = [1, 1]} : vector<32x2048xf32> to vector<32x1024xf32>
    %swap3A_100 = arith.constant 0 : index
    %swap3A_101 = arith.constant 288 : index
    %swap3A_102 = arith.constant 0 : index
    %swap3A_103 = vector.load %arg2[%swap3A_100, %swap3A_101, %swap3A_102] : memref<2x1024x1024xf32, #tpu.memory_space<vmem>>, vector<1x32x1024xf32>
    %swap3A_104 = vector.shape_cast %swap3A_103 : vector<1x32x1024xf32> to vector<32x1024xf32>
    %swap3A_105 = vector.shape_cast %slice3A_99 : vector<32x1024xf32> to vector<1x32x1024xf32>
    tpu.vector_store %arg2[%swap3A_100, %swap3A_101, %swap3A_102], %swap3A_105 {strides = array<i32>} : memref<2x1024x1024xf32, #tpu.memory_space<vmem>>, vector<1x32x1024xf32>,
    %slice3A_106 = vector.extract_strided_slice %get3A_37 {offsets = [0, 672], sizes = [32, 1024], strides = [1, 1]} : vector<32x2048xf32> to vector<32x1024xf32>
    %swap3A_107 = arith.constant 0 : index
    %swap3A_108 = arith.constant 320 : index
    %swap3A_109 = arith.constant 0 : index
    %swap3A_110 = vector.load %arg2[%swap3A_107, %swap3A_108, %swap3A_109] : memref<2x1024x1024xf32, #tpu.memory_space<vmem>>, vector<1x32x1024xf32>
    %swap3A_111 = vector.shape_cast %swap3A_110 : vector<1x32x1024xf32> to vector<32x1024xf32>
    %swap3A_112 = vector.shape_cast %slice3A_106 : vector<32x1024xf32> to vector<1x32x1024xf32>
    tpu.vector_store %arg2[%swap3A_107, %swap3A_108, %swap3A_109], %swap3A_112 {strides = array<i32>} : memref<2x1024x1024xf32, #tpu.memory_space<vmem>>, vector<1x32x1024xf32>,
    %slice3A_113 = vector.extract_strided_slice %get3A_37 {offsets = [0, 640], sizes = [32, 1024], strides = [1, 1]} : vector<32x2048xf32> to vector<32x1024xf32>
    %swap3A_114 = arith.constant 0 : index
    %swap3A_115 = arith.constant 352 : index
    %swap3A_116 = arith.constant 0 : index
    %swap3A_117 = vector.load %arg2[%swap3A_114, %swap3A_115, %swap3A_116] : memref<2x1024x1024xf32, #tpu.memory_space<vmem>>, vector<1x32x1024xf32>
    %swap3A_118 = vector.shape_cast %swap3A_117 : vector<1x32x1024xf32> to vector<32x1024xf32>
    %swap3A_119 = vector.shape_cast %slice3A_113 : vector<32x1024xf32> to vector<1x32x1024xf32>
    tpu.vector_store %arg2[%swap3A_114, %swap3A_115, %swap3A_116], %swap3A_119 {strides = array<i32>} : memref<2x1024x1024xf32, #tpu.memory_space<vmem>>, vector<1x32x1024xf32>,
    %slice3A_120 = vector.extract_strided_slice %get3A_37 {offsets = [0, 608], sizes = [32, 1024], strides = [1, 1]} : vector<32x2048xf32> to vector<32x1024xf32>
    %swap3A_121 = arith.constant 0 : index
    %swap3A_122 = arith.constant 384 : index
    %swap3A_123 = arith.constant 0 : index
    %swap3A_124 = vector.load %arg2[%swap3A_121, %swap3A_122, %swap3A_123] : memref<2x1024x1024xf32, #tpu.memory_space<vmem>>, vector<1x32x1024xf32>
    %swap3A_125 = vector.shape_cast %swap3A_124 : vector<1x32x1024xf32> to vector<32x1024xf32>
    %swap3A_126 = vector.shape_cast %slice3A_120 : vector<32x1024xf32> to vector<1x32x1024xf32>
    tpu.vector_store %arg2[%swap3A_121, %swap3A_122, %swap3A_123], %swap3A_126 {strides = array<i32>} : memref<2x1024x1024xf32, #tpu.memory_space<vmem>>, vector<1x32x1024xf32>,
    %slice3A_127 = vector.extract_strided_slice %get3A_37 {offsets = [0, 576], sizes = [32, 1024], strides = [1, 1]} : vector<32x2048xf32> to vector<32x1024xf32>
    %swap3A_128 = arith.constant 0 : index
    %swap3A_129 = arith.constant 416 : index
    %swap3A_130 = arith.constant 0 : index
    %swap3A_131 = vector.load %arg2[%swap3A_128, %swap3A_129, %swap3A_130] : memref<2x1024x1024xf32, #tpu.memory_space<vmem>>, vector<1x32x1024xf32>
    %swap3A_132 = vector.shape_cast %swap3A_131 : vector<1x32x1024xf32> to vector<32x1024xf32>
    %swap3A_133 = vector.shape_cast %slice3A_127 : vector<32x1024xf32> to vector<1x32x1024xf32>
    tpu.vector_store %arg2[%swap3A_128, %swap3A_129, %swap3A_130], %swap3A_133 {strides = array<i32>} : memref<2x1024x1024xf32, #tpu.memory_space<vmem>>, vector<1x32x1024xf32>,
    %slice3A_134 = vector.extract_strided_slice %get3A_37 {offsets = [0, 544], sizes = [32, 1024], strides = [1, 1]} : vector<32x2048xf32> to vector<32x1024xf32>
    %swap3A_135 = arith.constant 0 : index
    %swap3A_136 = arith.constant 448 : index
    %swap3A_137 = arith.constant 0 : index
    %swap3A_138 = vector.load %arg2[%swap3A_135, %swap3A_136, %swap3A_137] : memref<2x1024x1024xf32, #tpu.memory_space<vmem>>, vector<1x32x1024xf32>
    %swap3A_139 = vector.shape_cast %swap3A_138 : vector<1x32x1024xf32> to vector<32x1024xf32>
    %swap3A_140 = vector.shape_cast %slice3A_134 : vector<32x1024xf32> to vector<1x32x1024xf32>
    tpu.vector_store %arg2[%swap3A_135, %swap3A_136, %swap3A_137], %swap3A_140 {strides = array<i32>} : memref<2x1024x1024xf32, #tpu.memory_space<vmem>>, vector<1x32x1024xf32>,
    %slice3A_141 = vector.extract_strided_slice %get3A_37 {offsets = [0, 512], sizes = [32, 1024], strides = [1, 1]} : vector<32x2048xf32> to vector<32x1024xf32>
    %swap3A_142 = arith.constant 0 : index
    %swap3A_143 = arith.constant 480 : index
    %swap3A_144 = arith.constant 0 : index
    %swap3A_145 = vector.load %arg2[%swap3A_142, %swap3A_143, %swap3A_144] : memref<2x1024x1024xf32, #tpu.memory_space<vmem>>, vector<1x32x1024xf32>
    %swap3A_146 = vector.shape_cast %swap3A_145 : vector<1x32x1024xf32> to vector<32x1024xf32>
    %swap3A_147 = vector.shape_cast %slice3A_141 : vector<32x1024xf32> to vector<1x32x1024xf32>
    tpu.vector_store %arg2[%swap3A_142, %swap3A_143, %swap3A_144], %swap3A_147 {strides = array<i32>} : memref<2x1024x1024xf32, #tpu.memory_space<vmem>>, vector<1x32x1024xf32>,
    %slice3A_148 = vector.extract_strided_slice %get3A_37 {offsets = [0, 480], sizes = [32, 1024], strides = [1, 1]} : vector<32x2048xf32> to vector<32x1024xf32>
    %swap3A_149 = arith.constant 0 : index
    %swap3A_150 = arith.constant 512 : index
    %swap3A_151 = arith.constant 0 : index
    %swap3A_152 = vector.load %arg2[%swap3A_149, %swap3A_150, %swap3A_151] : memref<2x1024x1024xf32, #tpu.memory_space<vmem>>, vector<1x32x1024xf32>
    %swap3A_153 = vector.shape_cast %swap3A_152 : vector<1x32x1024xf32> to vector<32x1024xf32>
    %swap3A_154 = vector.shape_cast %slice3A_148 : vector<32x1024xf32> to vector<1x32x1024xf32>
    tpu.vector_store %arg2[%swap3A_149, %swap3A_150, %swap3A_151], %swap3A_154 {strides = array<i32>} : memref<2x1024x1024xf32, #tpu.memory_space<vmem>>, vector<1x32x1024xf32>,
    %slice3A_155 = vector.extract_strided_slice %get3A_37 {offsets = [0, 448], sizes = [32, 1024], strides = [1, 1]} : vector<32x2048xf32> to vector<32x1024xf32>
    %swap3A_156 = arith.constant 0 : index
    %swap3A_157 = arith.constant 544 : index
    %swap3A_158 = arith.constant 0 : index
    %swap3A_159 = vector.load %arg2[%swap3A_156, %swap3A_157, %swap3A_158] : memref<2x1024x1024xf32, #tpu.memory_space<vmem>>, vector<1x32x1024xf32>
    %swap3A_160 = vector.shape_cast %swap3A_159 : vector<1x32x1024xf32> to vector<32x1024xf32>
    %swap3A_161 = vector.shape_cast %slice3A_155 : vector<32x1024xf32> to vector<1x32x1024xf32>
    tpu.vector_store %arg2[%swap3A_156, %swap3A_157, %swap3A_158], %swap3A_161 {strides = array<i32>} : memref<2x1024x1024xf32, #tpu.memory_space<vmem>>, vector<1x32x1024xf32>,
    %slice3A_162 = vector.extract_strided_slice %get3A_37 {offsets = [0, 416], sizes = [32, 1024], strides = [1, 1]} : vector<32x2048xf32> to vector<32x1024xf32>
    %swap3A_163 = arith.constant 0 : index
    %swap3A_164 = arith.constant 576 : index
    %swap3A_165 = arith.constant 0 : index
    %swap3A_166 = vector.load %arg2[%swap3A_163, %swap3A_164, %swap3A_165] : memref<2x1024x1024xf32, #tpu.memory_space<vmem>>, vector<1x32x1024xf32>
    %swap3A_167 = vector.shape_cast %swap3A_166 : vector<1x32x1024xf32> to vector<32x1024xf32>
    %swap3A_168 = vector.shape_cast %slice3A_162 : vector<32x1024xf32> to vector<1x32x1024xf32>
    tpu.vector_store %arg2[%swap3A_163, %swap3A_164, %swap3A_165], %swap3A_168 {strides = array<i32>} : memref<2x1024x1024xf32, #tpu.memory_space<vmem>>, vector<1x32x1024xf32>,
    %slice3A_169 = vector.extract_strided_slice %get3A_37 {offsets = [0, 384], sizes = [32, 1024], strides = [1, 1]} : vector<32x2048xf32> to vector<32x1024xf32>
    %swap3A_170 = arith.constant 0 : index
    %swap3A_171 = arith.constant 608 : index
    %swap3A_172 = arith.constant 0 : index
    %swap3A_173 = vector.load %arg2[%swap3A_170, %swap3A_171, %swap3A_172] : memref<2x1024x1024xf32, #tpu.memory_space<vmem>>, vector<1x32x1024xf32>
    %swap3A_174 = vector.shape_cast %swap3A_173 : vector<1x32x1024xf32> to vector<32x1024xf32>
    %swap3A_175 = vector.shape_cast %slice3A_169 : vector<32x1024xf32> to vector<1x32x1024xf32>
    tpu.vector_store %arg2[%swap3A_170, %swap3A_171, %swap3A_172], %swap3A_175 {strides = array<i32>} : memref<2x1024x1024xf32, #tpu.memory_space<vmem>>, vector<1x32x1024xf32>,
    %slice3A_176 = vector.extract_strided_slice %get3A_37 {offsets = [0, 352], sizes = [32, 1024], strides = [1, 1]} : vector<32x2048xf32> to vector<32x1024xf32>
    %swap3A_177 = arith.constant 0 : index
    %swap3A_178 = arith.constant 640 : index
    %swap3A_179 = arith.constant 0 : index
    %swap3A_180 = vector.load %arg2[%swap3A_177, %swap3A_178, %swap3A_179] : memref<2x1024x1024xf32, #tpu.memory_space<vmem>>, vector<1x32x1024xf32>
    %swap3A_181 = vector.shape_cast %swap3A_180 : vector<1x32x1024xf32> to vector<32x1024xf32>
    %swap3A_182 = vector.shape_cast %slice3A_176 : vector<32x1024xf32> to vector<1x32x1024xf32>
    tpu.vector_store %arg2[%swap3A_177, %swap3A_178, %swap3A_179], %swap3A_182 {strides = array<i32>} : memref<2x1024x1024xf32, #tpu.memory_space<vmem>>, vector<1x32x1024xf32>,
    %slice3A_183 = vector.extract_strided_slice %get3A_37 {offsets = [0, 320], sizes = [32, 1024], strides = [1, 1]} : vector<32x2048xf32> to vector<32x1024xf32>
    %swap3A_184 = arith.constant 0 : index
    %swap3A_185 = arith.constant 672 : index
    %swap3A_186 = arith.constant 0 : index
    %swap3A_187 = vector.load %arg2[%swap3A_184, %swap3A_185, %swap3A_186] : memref<2x1024x1024xf32, #tpu.memory_space<vmem>>, vector<1x32x1024xf32>
    %swap3A_188 = vector.shape_cast %swap3A_187 : vector<1x32x1024xf32> to vector<32x1024xf32>
    %swap3A_189 = vector.shape_cast %slice3A_183 : vector<32x1024xf32> to vector<1x32x1024xf32>
    tpu.vector_store %arg2[%swap3A_184, %swap3A_185, %swap3A_186], %swap3A_189 {strides = array<i32>} : memref<2x1024x1024xf32, #tpu.memory_space<vmem>>, vector<1x32x1024xf32>,
    %slice3A_190 = vector.extract_strided_slice %get3A_37 {offsets = [0, 288], sizes = [32, 1024], strides = [1, 1]} : vector<32x2048xf32> to vector<32x1024xf32>
    %swap3A_191 = arith.constant 0 : index
    %swap3A_192 = arith.constant 704 : index
    %swap3A_193 = arith.constant 0 : index
    %swap3A_194 = vector.load %arg2[%swap3A_191, %swap3A_192, %swap3A_193] : memref<2x1024x1024xf32, #tpu.memory_space<vmem>>, vector<1x32x1024xf32>
    %swap3A_195 = vector.shape_cast %swap3A_194 : vector<1x32x1024xf32> to vector<32x1024xf32>
    %swap3A_196 = vector.shape_cast %slice3A_190 : vector<32x1024xf32> to vector<1x32x1024xf32>
    tpu.vector_store %arg2[%swap3A_191, %swap3A_192, %swap3A_193], %swap3A_196 {strides = array<i32>} : memref<2x1024x1024xf32, #tpu.memory_space<vmem>>, vector<1x32x1024xf32>,
    %slice3A_197 = vector.extract_strided_slice %get3A_37 {offsets = [0, 256], sizes = [32, 1024], strides = [1, 1]} : vector<32x2048xf32> to vector<32x1024xf32>
    %swap3A_198 = arith.constant 0 : index
    %swap3A_199 = arith.constant 736 : index
    %swap3A_200 = arith.constant 0 : index
    %swap3A_201 = vector.load %arg2[%swap3A_198, %swap3A_199, %swap3A_200] : memref<2x1024x1024xf32, #tpu.memory_space<vmem>>, vector<1x32x1024xf32>
    %swap3A_202 = vector.shape_cast %swap3A_201 : vector<1x32x1024xf32> to vector<32x1024xf32>
    %swap3A_203 = vector.shape_cast %slice3A_197 : vector<32x1024xf32> to vector<1x32x1024xf32>
    tpu.vector_store %arg2[%swap3A_198, %swap3A_199, %swap3A_200], %swap3A_203 {strides = array<i32>} : memref<2x1024x1024xf32, #tpu.memory_space<vmem>>, vector<1x32x1024xf32>,
    %slice3A_204 = vector.extract_strided_slice %get3A_37 {offsets = [0, 224], sizes = [32, 1024], strides = [1, 1]} : vector<32x2048xf32> to vector<32x1024xf32>
    %swap3A_205 = arith.constant 0 : index
    %swap3A_206 = arith.constant 768 : index
    %swap3A_207 = arith.constant 0 : index
    %swap3A_208 = vector.load %arg2[%swap3A_205, %swap3A_206, %swap3A_207] : memref<2x1024x1024xf32, #tpu.memory_space<vmem>>, vector<1x32x1024xf32>
    %swap3A_209 = vector.shape_cast %swap3A_208 : vector<1x32x1024xf32> to vector<32x1024xf32>
    %swap3A_210 = vector.shape_cast %slice3A_204 : vector<32x1024xf32> to vector<1x32x1024xf32>
    tpu.vector_store %arg2[%swap3A_205, %swap3A_206, %swap3A_207], %swap3A_210 {strides = array<i32>} : memref<2x1024x1024xf32, #tpu.memory_space<vmem>>, vector<1x32x1024xf32>,
    %slice3A_211 = vector.extract_strided_slice %get3A_37 {offsets = [0, 192], sizes = [32, 1024], strides = [1, 1]} : vector<32x2048xf32> to vector<32x1024xf32>
    %swap3A_212 = arith.constant 0 : index
    %swap3A_213 = arith.constant 800 : index
    %swap3A_214 = arith.constant 0 : index
    %swap3A_215 = vector.load %arg2[%swap3A_212, %swap3A_213, %swap3A_214] : memref<2x1024x1024xf32, #tpu.memory_space<vmem>>, vector<1x32x1024xf32>
    %swap3A_216 = vector.shape_cast %swap3A_215 : vector<1x32x1024xf32> to vector<32x1024xf32>
    %swap3A_217 = vector.shape_cast %slice3A_211 : vector<32x1024xf32> to vector<1x32x1024xf32>
    tpu.vector_store %arg2[%swap3A_212, %swap3A_213, %swap3A_214], %swap3A_217 {strides = array<i32>} : memref<2x1024x1024xf32, #tpu.memory_space<vmem>>, vector<1x32x1024xf32>,
    %slice3A_218 = vector.extract_strided_slice %get3A_37 {offsets = [0, 160], sizes = [32, 1024], strides = [1, 1]} : vector<32x2048xf32> to vector<32x1024xf32>
    %swap3A_219 = arith.constant 0 : index
    %swap3A_220 = arith.constant 832 : index
    %swap3A_221 = arith.constant 0 : index
    %swap3A_222 = vector.load %arg2[%swap3A_219, %swap3A_220, %swap3A_221] : memref<2x1024x1024xf32, #tpu.memory_space<vmem>>, vector<1x32x1024xf32>
    %swap3A_223 = vector.shape_cast %swap3A_222 : vector<1x32x1024xf32> to vector<32x1024xf32>
    %swap3A_224 = vector.shape_cast %slice3A_218 : vector<32x1024xf32> to vector<1x32x1024xf32>
    tpu.vector_store %arg2[%swap3A_219, %swap3A_220, %swap3A_221], %swap3A_224 {strides = array<i32>} : memref<2x1024x1024xf32, #tpu.memory_space<vmem>>, vector<1x32x1024xf32>,
    %slice3A_225 = vector.extract_strided_slice %get3A_37 {offsets = [0, 128], sizes = [32, 1024], strides = [1, 1]} : vector<32x2048xf32> to vector<32x1024xf32>
    %swap3A_226 = arith.constant 0 : index
    %swap3A_227 = arith.constant 864 : index
    %swap3A_228 = arith.constant 0 : index
    %swap3A_229 = vector.load %arg2[%swap3A_226, %swap3A_227, %swap3A_228] : memref<2x1024x1024xf32, #tpu.memory_space<vmem>>, vector<1x32x1024xf32>
    %swap3A_230 = vector.shape_cast %swap3A_229 : vector<1x32x1024xf32> to vector<32x1024xf32>
    %swap3A_231 = vector.shape_cast %slice3A_225 : vector<32x1024xf32> to vector<1x32x1024xf32>
    tpu.vector_store %arg2[%swap3A_226, %swap3A_227, %swap3A_228], %swap3A_231 {strides = array<i32>} : memref<2x1024x1024xf32, #tpu.memory_space<vmem>>, vector<1x32x1024xf32>,
    %slice3A_232 = vector.extract_strided_slice %get3A_37 {offsets = [0, 96], sizes = [32, 1024], strides = [1, 1]} : vector<32x2048xf32> to vector<32x1024xf32>
    %swap3A_233 = arith.constant 0 : index
    %swap3A_234 = arith.constant 896 : index
    %swap3A_235 = arith.constant 0 : index
    %swap3A_236 = vector.load %arg2[%swap3A_233, %swap3A_234, %swap3A_235] : memref<2x1024x1024xf32, #tpu.memory_space<vmem>>, vector<1x32x1024xf32>
    %swap3A_237 = vector.shape_cast %swap3A_236 : vector<1x32x1024xf32> to vector<32x1024xf32>
    %swap3A_238 = vector.shape_cast %slice3A_232 : vector<32x1024xf32> to vector<1x32x1024xf32>
    tpu.vector_store %arg2[%swap3A_233, %swap3A_234, %swap3A_235], %swap3A_238 {strides = array<i32>} : memref<2x1024x1024xf32, #tpu.memory_space<vmem>>, vector<1x32x1024xf32>,
    %slice3A_239 = vector.extract_strided_slice %get3A_37 {offsets = [0, 64], sizes = [32, 1024], strides = [1, 1]} : vector<32x2048xf32> to vector<32x1024xf32>
    %swap3A_240 = arith.constant 0 : index
    %swap3A_241 = arith.constant 928 : index
    %swap3A_242 = arith.constant 0 : index
    %swap3A_243 = vector.load %arg2[%swap3A_240, %swap3A_241, %swap3A_242] : memref<2x1024x1024xf32, #tpu.memory_space<vmem>>, vector<1x32x1024xf32>
    %swap3A_244 = vector.shape_cast %swap3A_243 : vector<1x32x1024xf32> to vector<32x1024xf32>
    %swap3A_245 = vector.shape_cast %slice3A_239 : vector<32x1024xf32> to vector<1x32x1024xf32>
    tpu.vector_store %arg2[%swap3A_240, %swap3A_241, %swap3A_242], %swap3A_245 {strides = array<i32>} : memref<2x1024x1024xf32, #tpu.memory_space<vmem>>, vector<1x32x1024xf32>,
    %slice3A_246 = vector.extract_strided_slice %get3A_37 {offsets = [0, 32], sizes = [32, 1024], strides = [1, 1]} : vector<32x2048xf32> to vector<32x1024xf32>
    %swap3A_247 = arith.constant 0 : index
    %swap3A_248 = arith.constant 960 : index
    %swap3A_249 = arith.constant 0 : index
    %swap3A_250 = vector.load %arg2[%swap3A_247, %swap3A_248, %swap3A_249] : memref<2x1024x1024xf32, #tpu.memory_space<vmem>>, vector<1x32x1024xf32>
    %swap3A_251 = vector.shape_cast %swap3A_250 : vector<1x32x1024xf32> to vector<32x1024xf32>
    %swap3A_252 = vector.shape_cast %slice3A_246 : vector<32x1024xf32> to vector<1x32x1024xf32>
    tpu.vector_store %arg2[%swap3A_247, %swap3A_248, %swap3A_249], %swap3A_252 {strides = array<i32>} : memref<2x1024x1024xf32, #tpu.memory_space<vmem>>, vector<1x32x1024xf32>,
    %slice3A_253 = vector.extract_strided_slice %get3A_37 {offsets = [0, 0], sizes = [32, 1024], strides = [1, 1]} : vector<32x2048xf32> to vector<32x1024xf32>
    %swap3A_254 = arith.constant 0 : index
    %swap3A_255 = arith.constant 992 : index
    %swap3A_256 = arith.constant 0 : index
    %swap3A_257 = vector.load %arg2[%swap3A_254, %swap3A_255, %swap3A_256] : memref<2x1024x1024xf32, #tpu.memory_space<vmem>>, vector<1x32x1024xf32>
    %swap3A_258 = vector.shape_cast %swap3A_257 : vector<1x32x1024xf32> to vector<32x1024xf32>
    %swap3A_259 = vector.shape_cast %slice3A_253 : vector<32x1024xf32> to vector<1x32x1024xf32>
    tpu.vector_store %arg2[%swap3A_254, %swap3A_255, %swap3A_256], %swap3A_259 {strides = array<i32>} : memref<2x1024x1024xf32, #tpu.memory_space<vmem>>, vector<1x32x1024xf32>,
    %mul3A_260 = arith.constant 2 : i32
    %mul3A_261 = arith.muli %mul3A_260, %arg0 : i32
    %add3A_262 = arith.constant 1 : i32
    %add3A_263 = arith.addi %mul3A_261, %add3A_262 : i32
    %add3A_264 = arith.constant 1 : i32
    %add3A_265 = arith.addi %mul3A_1, %add3A_264 : i32
    %add3A_266 = arith.constant 1 : i32
    %add3A_267 = arith.addi %mul3A_1, %add3A_266 : i32
    %dma_wait3A_268 = tpu.memref_slice %arg4[%add3A_267] : memref<4x!tpu.dma_semaphore, #tpu.memory_space<semaphore_mem>> -> memref<1x!tpu.dma_semaphore, #tpu.memory_space<semaphore_mem>>
    %dma_wait3A_269 = tpu.memref_squeeze %dma_wait3A_268 : memref<1x!tpu.dma_semaphore, #tpu.memory_space<semaphore_mem>> -> memref<!tpu.dma_semaphore, #tpu.memory_space<semaphore_mem>>
    %dma_wait3A_270 = arith.constant 0 : i32
    %dma_wait3A_271 = arith.constant 0 : i32
    %dma_wait3A_272 = tpu.memref_slice %arg3[%add3A_265, %dma_wait3A_270, %dma_wait3A_271] : memref<4x32x2048xf32, #tpu.memory_space<vmem>> -> memref<1x32x2048xf32, #tpu.memory_space<vmem>>
    %dma_wait3A_273 = tpu.memref_squeeze %dma_wait3A_272 : memref<1x32x2048xf32, #tpu.memory_space<vmem>> -> memref<32x2048xf32, #tpu.memory_space<vmem>>
    %dma_wait3A_274 = arith.constant 0 : i32
    %dma_wait3A_275 = arith.constant 0 : i32
    %dma_wait3A_276 = tpu.memref_slice %arg1[%add3A_263, %dma_wait3A_274, %dma_wait3A_275] : memref<16x32x2048xf32, #tpu.memory_space<any>> -> memref<1x32x2048xf32, #tpu.memory_space<any>>
    %dma_wait3A_277 = tpu.memref_squeeze %dma_wait3A_276 : memref<1x32x2048xf32, #tpu.memory_space<any>> -> memref<32x2048xf32, #tpu.memory_space<any>>
    tpu.wait_dma2 semaphore(%dma_wait3A_269 : memref<!tpu.dma_semaphore, #tpu.memory_space<semaphore_mem>>) src(%dma_wait3A_277 : memref<32x2048xf32, #tpu.memory_space<any>>) dst(%dma_wait3A_273 : memref<32x2048xf32, #tpu.memory_space<vmem>>)
    %add3A_278 = arith.constant 1 : i32
    %add3A_279 = arith.addi %mul3A_1, %add3A_278 : i32
    %get3A_280 = arith.index_cast %add3A_279 : i32 to index
    %get3A_281 = arith.constant 0 : index
    %get3A_282 = arith.constant 0 : index
    %get3A_283 = vector.load %arg3[%get3A_280, %get3A_281, %get3A_282] : memref<4x32x2048xf32, #tpu.memory_space<vmem>>, vector<1x32x2048xf32>
    %get3A_284 = vector.shape_cast %get3A_283 : vector<1x32x2048xf32> to vector<32x2048xf32>
    %slice3A_285 = vector.extract_strided_slice %get3A_284 {offsets = [0, 992], sizes = [32, 1024], strides = [1, 1]} : vector<32x2048xf32> to vector<32x1024xf32>
    %swap3A_286 = arith.constant 1 : index
    %swap3A_287 = arith.constant 0 : index
    %swap3A_288 = arith.constant 0 : index
    %swap3A_289 = vector.load %arg2[%swap3A_286, %swap3A_287, %swap3A_288] : memref<2x1024x1024xf32, #tpu.memory_space<vmem>>, vector<1x32x1024xf32>
    %swap3A_290 = vector.shape_cast %swap3A_289 : vector<1x32x1024xf32> to vector<32x1024xf32>
    %swap3A_291 = vector.shape_cast %slice3A_285 : vector<32x1024xf32> to vector<1x32x1024xf32>
    tpu.vector_store %arg2[%swap3A_286, %swap3A_287, %swap3A_288], %swap3A_291 {strides = array<i32>} : memref<2x1024x1024xf32, #tpu.memory_space<vmem>>, vector<1x32x1024xf32>,
    %slice3A_292 = vector.extract_strided_slice %get3A_284 {offsets = [0, 960], sizes = [32, 1024], strides = [1, 1]} : vector<32x2048xf32> to vector<32x1024xf32>
    %swap3A_293 = arith.constant 1 : index
    %swap3A_294 = arith.constant 32 : index
    %swap3A_295 = arith.constant 0 : index
    %swap3A_296 = vector.load %arg2[%swap3A_293, %swap3A_294, %swap3A_295] : memref<2x1024x1024xf32, #tpu.memory_space<vmem>>, vector<1x32x1024xf32>
    %swap3A_297 = vector.shape_cast %swap3A_296 : vector<1x32x1024xf32> to vector<32x1024xf32>
    %swap3A_298 = vector.shape_cast %slice3A_292 : vector<32x1024xf32> to vector<1x32x1024xf32>
    tpu.vector_store %arg2[%swap3A_293, %swap3A_294, %swap3A_295], %swap3A_298 {strides = array<i32>} : memref<2x1024x1024xf32, #tpu.memory_space<vmem>>, vector<1x32x1024xf32>,
    %slice3A_299 = vector.extract_strided_slice %get3A_284 {offsets = [0, 928], sizes = [32, 1024], strides = [1, 1]} : vector<32x2048xf32> to vector<32x1024xf32>
    %swap3A_300 = arith.constant 1 : index
    %swap3A_301 = arith.constant 64 : index
    %swap3A_302 = arith.constant 0 : index
    %swap3A_303 = vector.load %arg2[%swap3A_300, %swap3A_301, %swap3A_302] : memref<2x1024x1024xf32, #tpu.memory_space<vmem>>, vector<1x32x1024xf32>
    %swap3A_304 = vector.shape_cast %swap3A_303 : vector<1x32x1024xf32> to vector<32x1024xf32>
    %swap3A_305 = vector.shape_cast %slice3A_299 : vector<32x1024xf32> to vector<1x32x1024xf32>
    tpu.vector_store %arg2[%swap3A_300, %swap3A_301, %swap3A_302], %swap3A_305 {strides = array<i32>} : memref<2x1024x1024xf32, #tpu.memory_space<vmem>>, vector<1x32x1024xf32>,
    %slice3A_306 = vector.extract_strided_slice %get3A_284 {offsets = [0, 896], sizes = [32, 1024], strides = [1, 1]} : vector<32x2048xf32> to vector<32x1024xf32>
    %swap3A_307 = arith.constant 1 : index
    %swap3A_308 = arith.constant 96 : index
    %swap3A_309 = arith.constant 0 : index
    %swap3A_310 = vector.load %arg2[%swap3A_307, %swap3A_308, %swap3A_309] : memref<2x1024x1024xf32, #tpu.memory_space<vmem>>, vector<1x32x1024xf32>
    %swap3A_311 = vector.shape_cast %swap3A_310 : vector<1x32x1024xf32> to vector<32x1024xf32>
    %swap3A_312 = vector.shape_cast %slice3A_306 : vector<32x1024xf32> to vector<1x32x1024xf32>
    tpu.vector_store %arg2[%swap3A_307, %swap3A_308, %swap3A_309], %swap3A_312 {strides = array<i32>} : memref<2x1024x1024xf32, #tpu.memory_space<vmem>>, vector<1x32x1024xf32>,
    %slice3A_313 = vector.extract_strided_slice %get3A_284 {offsets = [0, 864], sizes = [32, 1024], strides = [1, 1]} : vector<32x2048xf32> to vector<32x1024xf32>
    %swap3A_314 = arith.constant 1 : index
    %swap3A_315 = arith.constant 128 : index
    %swap3A_316 = arith.constant 0 : index
    %swap3A_317 = vector.load %arg2[%swap3A_314, %swap3A_315, %swap3A_316] : memref<2x1024x1024xf32, #tpu.memory_space<vmem>>, vector<1x32x1024xf32>
    %swap3A_318 = vector.shape_cast %swap3A_317 : vector<1x32x1024xf32> to vector<32x1024xf32>
    %swap3A_319 = vector.shape_cast %slice3A_313 : vector<32x1024xf32> to vector<1x32x1024xf32>
    tpu.vector_store %arg2[%swap3A_314, %swap3A_315, %swap3A_316], %swap3A_319 {strides = array<i32>} : memref<2x1024x1024xf32, #tpu.memory_space<vmem>>, vector<1x32x1024xf32>,
    %slice3A_320 = vector.extract_strided_slice %get3A_284 {offsets = [0, 832], sizes = [32, 1024], strides = [1, 1]} : vector<32x2048xf32> to vector<32x1024xf32>
    %swap3A_321 = arith.constant 1 : index
    %swap3A_322 = arith.constant 160 : index
    %swap3A_323 = arith.constant 0 : index
    %swap3A_324 = vector.load %arg2[%swap3A_321, %swap3A_322, %swap3A_323] : memref<2x1024x1024xf32, #tpu.memory_space<vmem>>, vector<1x32x1024xf32>
    %swap3A_325 = vector.shape_cast %swap3A_324 : vector<1x32x1024xf32> to vector<32x1024xf32>
    %swap3A_326 = vector.shape_cast %slice3A_320 : vector<32x1024xf32> to vector<1x32x1024xf32>
    tpu.vector_store %arg2[%swap3A_321, %swap3A_322, %swap3A_323], %swap3A_326 {strides = array<i32>} : memref<2x1024x1024xf32, #tpu.memory_space<vmem>>, vector<1x32x1024xf32>,
    %slice3A_327 = vector.extract_strided_slice %get3A_284 {offsets = [0, 800], sizes = [32, 1024], strides = [1, 1]} : vector<32x2048xf32> to vector<32x1024xf32>
    %swap3A_328 = arith.constant 1 : index
    %swap3A_329 = arith.constant 192 : index
    %swap3A_330 = arith.constant 0 : index
    %swap3A_331 = vector.load %arg2[%swap3A_328, %swap3A_329, %swap3A_330] : memref<2x1024x1024xf32, #tpu.memory_space<vmem>>, vector<1x32x1024xf32>
    %swap3A_332 = vector.shape_cast %swap3A_331 : vector<1x32x1024xf32> to vector<32x1024xf32>
    %swap3A_333 = vector.shape_cast %slice3A_327 : vector<32x1024xf32> to vector<1x32x1024xf32>
    tpu.vector_store %arg2[%swap3A_328, %swap3A_329, %swap3A_330], %swap3A_333 {strides = array<i32>} : memref<2x1024x1024xf32, #tpu.memory_space<vmem>>, vector<1x32x1024xf32>,
    %slice3A_334 = vector.extract_strided_slice %get3A_284 {offsets = [0, 768], sizes = [32, 1024], strides = [1, 1]} : vector<32x2048xf32> to vector<32x1024xf32>
    %swap3A_335 = arith.constant 1 : index
    %swap3A_336 = arith.constant 224 : index
    %swap3A_337 = arith.constant 0 : index
    %swap3A_338 = vector.load %arg2[%swap3A_335, %swap3A_336, %swap3A_337] : memref<2x1024x1024xf32, #tpu.memory_space<vmem>>, vector<1x32x1024xf32>
    %swap3A_339 = vector.shape_cast %swap3A_338 : vector<1x32x1024xf32> to vector<32x1024xf32>
    %swap3A_340 = vector.shape_cast %slice3A_334 : vector<32x1024xf32> to vector<1x32x1024xf32>
    tpu.vector_store %arg2[%swap3A_335, %swap3A_336, %swap3A_337], %swap3A_340 {strides = array<i32>} : memref<2x1024x1024xf32, #tpu.memory_space<vmem>>, vector<1x32x1024xf32>,
    %slice3A_341 = vector.extract_strided_slice %get3A_284 {offsets = [0, 736], sizes = [32, 1024], strides = [1, 1]} : vector<32x2048xf32> to vector<32x1024xf32>
    %swap3A_342 = arith.constant 1 : index
    %swap3A_343 = arith.constant 256 : index
    %swap3A_344 = arith.constant 0 : index
    %swap3A_345 = vector.load %arg2[%swap3A_342, %swap3A_343, %swap3A_344] : memref<2x1024x1024xf32, #tpu.memory_space<vmem>>, vector<1x32x1024xf32>
    %swap3A_346 = vector.shape_cast %swap3A_345 : vector<1x32x1024xf32> to vector<32x1024xf32>
    %swap3A_347 = vector.shape_cast %slice3A_341 : vector<32x1024xf32> to vector<1x32x1024xf32>
    tpu.vector_store %arg2[%swap3A_342, %swap3A_343, %swap3A_344], %swap3A_347 {strides = array<i32>} : memref<2x1024x1024xf32, #tpu.memory_space<vmem>>, vector<1x32x1024xf32>,
    %slice3A_348 = vector.extract_strided_slice %get3A_284 {offsets = [0, 704], sizes = [32, 1024], strides = [1, 1]} : vector<32x2048xf32> to vector<32x1024xf32>
    %swap3A_349 = arith.constant 1 : index
    %swap3A_350 = arith.constant 288 : index
    %swap3A_351 = arith.constant 0 : index
    %swap3A_352 = vector.load %arg2[%swap3A_349, %swap3A_350, %swap3A_351] : memref<2x1024x1024xf32, #tpu.memory_space<vmem>>, vector<1x32x1024xf32>
    %swap3A_353 = vector.shape_cast %swap3A_352 : vector<1x32x1024xf32> to vector<32x1024xf32>
    %swap3A_354 = vector.shape_cast %slice3A_348 : vector<32x1024xf32> to vector<1x32x1024xf32>
    tpu.vector_store %arg2[%swap3A_349, %swap3A_350, %swap3A_351], %swap3A_354 {strides = array<i32>} : memref<2x1024x1024xf32, #tpu.memory_space<vmem>>, vector<1x32x1024xf32>,
    %slice3A_355 = vector.extract_strided_slice %get3A_284 {offsets = [0, 672], sizes = [32, 1024], strides = [1, 1]} : vector<32x2048xf32> to vector<32x1024xf32>
    %swap3A_356 = arith.constant 1 : index
    %swap3A_357 = arith.constant 320 : index
    %swap3A_358 = arith.constant 0 : index
    %swap3A_359 = vector.load %arg2[%swap3A_356, %swap3A_357, %swap3A_358] : memref<2x1024x1024xf32, #tpu.memory_space<vmem>>, vector<1x32x1024xf32>
    %swap3A_360 = vector.shape_cast %swap3A_359 : vector<1x32x1024xf32> to vector<32x1024xf32>
    %swap3A_361 = vector.shape_cast %slice3A_355 : vector<32x1024xf32> to vector<1x32x1024xf32>
    tpu.vector_store %arg2[%swap3A_356, %swap3A_357, %swap3A_358], %swap3A_361 {strides = array<i32>} : memref<2x1024x1024xf32, #tpu.memory_space<vmem>>, vector<1x32x1024xf32>,
    %slice3A_362 = vector.extract_strided_slice %get3A_284 {offsets = [0, 640], sizes = [32, 1024], strides = [1, 1]} : vector<32x2048xf32> to vector<32x1024xf32>
    %swap3A_363 = arith.constant 1 : index
    %swap3A_364 = arith.constant 352 : index
    %swap3A_365 = arith.constant 0 : index
    %swap3A_366 = vector.load %arg2[%swap3A_363, %swap3A_364, %swap3A_365] : memref<2x1024x1024xf32, #tpu.memory_space<vmem>>, vector<1x32x1024xf32>
    %swap3A_367 = vector.shape_cast %swap3A_366 : vector<1x32x1024xf32> to vector<32x1024xf32>
    %swap3A_368 = vector.shape_cast %slice3A_362 : vector<32x1024xf32> to vector<1x32x1024xf32>
    tpu.vector_store %arg2[%swap3A_363, %swap3A_364, %swap3A_365], %swap3A_368 {strides = array<i32>} : memref<2x1024x1024xf32, #tpu.memory_space<vmem>>, vector<1x32x1024xf32>,
    %slice3A_369 = vector.extract_strided_slice %get3A_284 {offsets = [0, 608], sizes = [32, 1024], strides = [1, 1]} : vector<32x2048xf32> to vector<32x1024xf32>
    %swap3A_370 = arith.constant 1 : index
    %swap3A_371 = arith.constant 384 : index
    %swap3A_372 = arith.constant 0 : index
    %swap3A_373 = vector.load %arg2[%swap3A_370, %swap3A_371, %swap3A_372] : memref<2x1024x1024xf32, #tpu.memory_space<vmem>>, vector<1x32x1024xf32>
    %swap3A_374 = vector.shape_cast %swap3A_373 : vector<1x32x1024xf32> to vector<32x1024xf32>
    %swap3A_375 = vector.shape_cast %slice3A_369 : vector<32x1024xf32> to vector<1x32x1024xf32>
    tpu.vector_store %arg2[%swap3A_370, %swap3A_371, %swap3A_372], %swap3A_375 {strides = array<i32>} : memref<2x1024x1024xf32, #tpu.memory_space<vmem>>, vector<1x32x1024xf32>,
    %slice3A_376 = vector.extract_strided_slice %get3A_284 {offsets = [0, 576], sizes = [32, 1024], strides = [1, 1]} : vector<32x2048xf32> to vector<32x1024xf32>
    %swap3A_377 = arith.constant 1 : index
    %swap3A_378 = arith.constant 416 : index
    %swap3A_379 = arith.constant 0 : index
    %swap3A_380 = vector.load %arg2[%swap3A_377, %swap3A_378, %swap3A_379] : memref<2x1024x1024xf32, #tpu.memory_space<vmem>>, vector<1x32x1024xf32>
    %swap3A_381 = vector.shape_cast %swap3A_380 : vector<1x32x1024xf32> to vector<32x1024xf32>
    %swap3A_382 = vector.shape_cast %slice3A_376 : vector<32x1024xf32> to vector<1x32x1024xf32>
    tpu.vector_store %arg2[%swap3A_377, %swap3A_378, %swap3A_379], %swap3A_382 {strides = array<i32>} : memref<2x1024x1024xf32, #tpu.memory_space<vmem>>, vector<1x32x1024xf32>,
    %slice3A_383 = vector.extract_strided_slice %get3A_284 {offsets = [0, 544], sizes = [32, 1024], strides = [1, 1]} : vector<32x2048xf32> to vector<32x1024xf32>
    %swap3A_384 = arith.constant 1 : index
    %swap3A_385 = arith.constant 448 : index
    %swap3A_386 = arith.constant 0 : index
    %swap3A_387 = vector.load %arg2[%swap3A_384, %swap3A_385, %swap3A_386] : memref<2x1024x1024xf32, #tpu.memory_space<vmem>>, vector<1x32x1024xf32>
    %swap3A_388 = vector.shape_cast %swap3A_387 : vector<1x32x1024xf32> to vector<32x1024xf32>
    %swap3A_389 = vector.shape_cast %slice3A_383 : vector<32x1024xf32> to vector<1x32x1024xf32>
    tpu.vector_store %arg2[%swap3A_384, %swap3A_385, %swap3A_386], %swap3A_389 {strides = array<i32>} : memref<2x1024x1024xf32, #tpu.memory_space<vmem>>, vector<1x32x1024xf32>,
    %slice3A_390 = vector.extract_strided_slice %get3A_284 {offsets = [0, 512], sizes = [32, 1024], strides = [1, 1]} : vector<32x2048xf32> to vector<32x1024xf32>
    %swap3A_391 = arith.constant 1 : index
    %swap3A_392 = arith.constant 480 : index
    %swap3A_393 = arith.constant 0 : index
    %swap3A_394 = vector.load %arg2[%swap3A_391, %swap3A_392, %swap3A_393] : memref<2x1024x1024xf32, #tpu.memory_space<vmem>>, vector<1x32x1024xf32>
    %swap3A_395 = vector.shape_cast %swap3A_394 : vector<1x32x1024xf32> to vector<32x1024xf32>
    %swap3A_396 = vector.shape_cast %slice3A_390 : vector<32x1024xf32> to vector<1x32x1024xf32>
    tpu.vector_store %arg2[%swap3A_391, %swap3A_392, %swap3A_393], %swap3A_396 {strides = array<i32>} : memref<2x1024x1024xf32, #tpu.memory_space<vmem>>, vector<1x32x1024xf32>,
    %slice3A_397 = vector.extract_strided_slice %get3A_284 {offsets = [0, 480], sizes = [32, 1024], strides = [1, 1]} : vector<32x2048xf32> to vector<32x1024xf32>
    %swap3A_398 = arith.constant 1 : index
    %swap3A_399 = arith.constant 512 : index
    %swap3A_400 = arith.constant 0 : index
    %swap3A_401 = vector.load %arg2[%swap3A_398, %swap3A_399, %swap3A_400] : memref<2x1024x1024xf32, #tpu.memory_space<vmem>>, vector<1x32x1024xf32>
    %swap3A_402 = vector.shape_cast %swap3A_401 : vector<1x32x1024xf32> to vector<32x1024xf32>
    %swap3A_403 = vector.shape_cast %slice3A_397 : vector<32x1024xf32> to vector<1x32x1024xf32>
    tpu.vector_store %arg2[%swap3A_398, %swap3A_399, %swap3A_400], %swap3A_403 {strides = array<i32>} : memref<2x1024x1024xf32, #tpu.memory_space<vmem>>, vector<1x32x1024xf32>,
    %slice3A_404 = vector.extract_strided_slice %get3A_284 {offsets = [0, 448], sizes = [32, 1024], strides = [1, 1]} : vector<32x2048xf32> to vector<32x1024xf32>
    %swap3A_405 = arith.constant 1 : index
    %swap3A_406 = arith.constant 544 : index
    %swap3A_407 = arith.constant 0 : index
    %swap3A_408 = vector.load %arg2[%swap3A_405, %swap3A_406, %swap3A_407] : memref<2x1024x1024xf32, #tpu.memory_space<vmem>>, vector<1x32x1024xf32>
    %swap3A_409 = vector.shape_cast %swap3A_408 : vector<1x32x1024xf32> to vector<32x1024xf32>
    %swap3A_410 = vector.shape_cast %slice3A_404 : vector<32x1024xf32> to vector<1x32x1024xf32>
    tpu.vector_store %arg2[%swap3A_405, %swap3A_406, %swap3A_407], %swap3A_410 {strides = array<i32>} : memref<2x1024x1024xf32, #tpu.memory_space<vmem>>, vector<1x32x1024xf32>,
    %slice3A_411 = vector.extract_strided_slice %get3A_284 {offsets = [0, 416], sizes = [32, 1024], strides = [1, 1]} : vector<32x2048xf32> to vector<32x1024xf32>
    %swap3A_412 = arith.constant 1 : index
    %swap3A_413 = arith.constant 576 : index
    %swap3A_414 = arith.constant 0 : index
    %swap3A_415 = vector.load %arg2[%swap3A_412, %swap3A_413, %swap3A_414] : memref<2x1024x1024xf32, #tpu.memory_space<vmem>>, vector<1x32x1024xf32>
    %swap3A_416 = vector.shape_cast %swap3A_415 : vector<1x32x1024xf32> to vector<32x1024xf32>
    %swap3A_417 = vector.shape_cast %slice3A_411 : vector<32x1024xf32> to vector<1x32x1024xf32>
    tpu.vector_store %arg2[%swap3A_412, %swap3A_413, %swap3A_414], %swap3A_417 {strides = array<i32>} : memref<2x1024x1024xf32, #tpu.memory_space<vmem>>, vector<1x32x1024xf32>,
    %slice3A_418 = vector.extract_strided_slice %get3A_284 {offsets = [0, 384], sizes = [32, 1024], strides = [1, 1]} : vector<32x2048xf32> to vector<32x1024xf32>
    %swap3A_419 = arith.constant 1 : index
    %swap3A_420 = arith.constant 608 : index
    %swap3A_421 = arith.constant 0 : index
    %swap3A_422 = vector.load %arg2[%swap3A_419, %swap3A_420, %swap3A_421] : memref<2x1024x1024xf32, #tpu.memory_space<vmem>>, vector<1x32x1024xf32>
    %swap3A_423 = vector.shape_cast %swap3A_422 : vector<1x32x1024xf32> to vector<32x1024xf32>
    %swap3A_424 = vector.shape_cast %slice3A_418 : vector<32x1024xf32> to vector<1x32x1024xf32>
    tpu.vector_store %arg2[%swap3A_419, %swap3A_420, %swap3A_421], %swap3A_424 {strides = array<i32>} : memref<2x1024x1024xf32, #tpu.memory_space<vmem>>, vector<1x32x1024xf32>,
    %slice3A_425 = vector.extract_strided_slice %get3A_284 {offsets = [0, 352], sizes = [32, 1024], strides = [1, 1]} : vector<32x2048xf32> to vector<32x1024xf32>
    %swap3A_426 = arith.constant 1 : index
    %swap3A_427 = arith.constant 640 : index
    %swap3A_428 = arith.constant 0 : index
    %swap3A_429 = vector.load %arg2[%swap3A_426, %swap3A_427, %swap3A_428] : memref<2x1024x1024xf32, #tpu.memory_space<vmem>>, vector<1x32x1024xf32>
    %swap3A_430 = vector.shape_cast %swap3A_429 : vector<1x32x1024xf32> to vector<32x1024xf32>
    %swap3A_431 = vector.shape_cast %slice3A_425 : vector<32x1024xf32> to vector<1x32x1024xf32>
    tpu.vector_store %arg2[%swap3A_426, %swap3A_427, %swap3A_428], %swap3A_431 {strides = array<i32>} : memref<2x1024x1024xf32, #tpu.memory_space<vmem>>, vector<1x32x1024xf32>,
    %slice3A_432 = vector.extract_strided_slice %get3A_284 {offsets = [0, 320], sizes = [32, 1024], strides = [1, 1]} : vector<32x2048xf32> to vector<32x1024xf32>
    %swap3A_433 = arith.constant 1 : index
    %swap3A_434 = arith.constant 672 : index
    %swap3A_435 = arith.constant 0 : index
    %swap3A_436 = vector.load %arg2[%swap3A_433, %swap3A_434, %swap3A_435] : memref<2x1024x1024xf32, #tpu.memory_space<vmem>>, vector<1x32x1024xf32>
    %swap3A_437 = vector.shape_cast %swap3A_436 : vector<1x32x1024xf32> to vector<32x1024xf32>
    %swap3A_438 = vector.shape_cast %slice3A_432 : vector<32x1024xf32> to vector<1x32x1024xf32>
    tpu.vector_store %arg2[%swap3A_433, %swap3A_434, %swap3A_435], %swap3A_438 {strides = array<i32>} : memref<2x1024x1024xf32, #tpu.memory_space<vmem>>, vector<1x32x1024xf32>,
    %slice3A_439 = vector.extract_strided_slice %get3A_284 {offsets = [0, 288], sizes = [32, 1024], strides = [1, 1]} : vector<32x2048xf32> to vector<32x1024xf32>
    %swap3A_440 = arith.constant 1 : index
    %swap3A_441 = arith.constant 704 : index
    %swap3A_442 = arith.constant 0 : index
    %swap3A_443 = vector.load %arg2[%swap3A_440, %swap3A_441, %swap3A_442] : memref<2x1024x1024xf32, #tpu.memory_space<vmem>>, vector<1x32x1024xf32>
    %swap3A_444 = vector.shape_cast %swap3A_443 : vector<1x32x1024xf32> to vector<32x1024xf32>
    %swap3A_445 = vector.shape_cast %slice3A_439 : vector<32x1024xf32> to vector<1x32x1024xf32>
    tpu.vector_store %arg2[%swap3A_440, %swap3A_441, %swap3A_442], %swap3A_445 {strides = array<i32>} : memref<2x1024x1024xf32, #tpu.memory_space<vmem>>, vector<1x32x1024xf32>,
    %slice3A_446 = vector.extract_strided_slice %get3A_284 {offsets = [0, 256], sizes = [32, 1024], strides = [1, 1]} : vector<32x2048xf32> to vector<32x1024xf32>
    %swap3A_447 = arith.constant 1 : index
    %swap3A_448 = arith.constant 736 : index
    %swap3A_449 = arith.constant 0 : index
    %swap3A_450 = vector.load %arg2[%swap3A_447, %swap3A_448, %swap3A_449] : memref<2x1024x1024xf32, #tpu.memory_space<vmem>>, vector<1x32x1024xf32>
    %swap3A_451 = vector.shape_cast %swap3A_450 : vector<1x32x1024xf32> to vector<32x1024xf32>
    %swap3A_452 = vector.shape_cast %slice3A_446 : vector<32x1024xf32> to vector<1x32x1024xf32>
    tpu.vector_store %arg2[%swap3A_447, %swap3A_448, %swap3A_449], %swap3A_452 {strides = array<i32>} : memref<2x1024x1024xf32, #tpu.memory_space<vmem>>, vector<1x32x1024xf32>,
    %slice3A_453 = vector.extract_strided_slice %get3A_284 {offsets = [0, 224], sizes = [32, 1024], strides = [1, 1]} : vector<32x2048xf32> to vector<32x1024xf32>
    %swap3A_454 = arith.constant 1 : index
    %swap3A_455 = arith.constant 768 : index
    %swap3A_456 = arith.constant 0 : index
    %swap3A_457 = vector.load %arg2[%swap3A_454, %swap3A_455, %swap3A_456] : memref<2x1024x1024xf32, #tpu.memory_space<vmem>>, vector<1x32x1024xf32>
    %swap3A_458 = vector.shape_cast %swap3A_457 : vector<1x32x1024xf32> to vector<32x1024xf32>
    %swap3A_459 = vector.shape_cast %slice3A_453 : vector<32x1024xf32> to vector<1x32x1024xf32>
    tpu.vector_store %arg2[%swap3A_454, %swap3A_455, %swap3A_456], %swap3A_459 {strides = array<i32>} : memref<2x1024x1024xf32, #tpu.memory_space<vmem>>, vector<1x32x1024xf32>,
    %slice3A_460 = vector.extract_strided_slice %get3A_284 {offsets = [0, 192], sizes = [32, 1024], strides = [1, 1]} : vector<32x2048xf32> to vector<32x1024xf32>
    %swap3A_461 = arith.constant 1 : index
    %swap3A_462 = arith.constant 800 : index
    %swap3A_463 = arith.constant 0 : index
    %swap3A_464 = vector.load %arg2[%swap3A_461, %swap3A_462, %swap3A_463] : memref<2x1024x1024xf32, #tpu.memory_space<vmem>>, vector<1x32x1024xf32>
    %swap3A_465 = vector.shape_cast %swap3A_464 : vector<1x32x1024xf32> to vector<32x1024xf32>
    %swap3A_466 = vector.shape_cast %slice3A_460 : vector<32x1024xf32> to vector<1x32x1024xf32>
    tpu.vector_store %arg2[%swap3A_461, %swap3A_462, %swap3A_463], %swap3A_466 {strides = array<i32>} : memref<2x1024x1024xf32, #tpu.memory_space<vmem>>, vector<1x32x1024xf32>,
    %slice3A_467 = vector.extract_strided_slice %get3A_284 {offsets = [0, 160], sizes = [32, 1024], strides = [1, 1]} : vector<32x2048xf32> to vector<32x1024xf32>
    %swap3A_468 = arith.constant 1 : index
    %swap3A_469 = arith.constant 832 : index
    %swap3A_470 = arith.constant 0 : index
    %swap3A_471 = vector.load %arg2[%swap3A_468, %swap3A_469, %swap3A_470] : memref<2x1024x1024xf32, #tpu.memory_space<vmem>>, vector<1x32x1024xf32>
    %swap3A_472 = vector.shape_cast %swap3A_471 : vector<1x32x1024xf32> to vector<32x1024xf32>
    %swap3A_473 = vector.shape_cast %slice3A_467 : vector<32x1024xf32> to vector<1x32x1024xf32>
    tpu.vector_store %arg2[%swap3A_468, %swap3A_469, %swap3A_470], %swap3A_473 {strides = array<i32>} : memref<2x1024x1024xf32, #tpu.memory_space<vmem>>, vector<1x32x1024xf32>,
    %slice3A_474 = vector.extract_strided_slice %get3A_284 {offsets = [0, 128], sizes = [32, 1024], strides = [1, 1]} : vector<32x2048xf32> to vector<32x1024xf32>
    %swap3A_475 = arith.constant 1 : index
    %swap3A_476 = arith.constant 864 : index
    %swap3A_477 = arith.constant 0 : index
    %swap3A_478 = vector.load %arg2[%swap3A_475, %swap3A_476, %swap3A_477] : memref<2x1024x1024xf32, #tpu.memory_space<vmem>>, vector<1x32x1024xf32>
    %swap3A_479 = vector.shape_cast %swap3A_478 : vector<1x32x1024xf32> to vector<32x1024xf32>
    %swap3A_480 = vector.shape_cast %slice3A_474 : vector<32x1024xf32> to vector<1x32x1024xf32>
    tpu.vector_store %arg2[%swap3A_475, %swap3A_476, %swap3A_477], %swap3A_480 {strides = array<i32>} : memref<2x1024x1024xf32, #tpu.memory_space<vmem>>, vector<1x32x1024xf32>,
    %slice3A_481 = vector.extract_strided_slice %get3A_284 {offsets = [0, 96], sizes = [32, 1024], strides = [1, 1]} : vector<32x2048xf32> to vector<32x1024xf32>
    %swap3A_482 = arith.constant 1 : index
    %swap3A_483 = arith.constant 896 : index
    %swap3A_484 = arith.constant 0 : index
    %swap3A_485 = vector.load %arg2[%swap3A_482, %swap3A_483, %swap3A_484] : memref<2x1024x1024xf32, #tpu.memory_space<vmem>>, vector<1x32x1024xf32>
    %swap3A_486 = vector.shape_cast %swap3A_485 : vector<1x32x1024xf32> to vector<32x1024xf32>
    %swap3A_487 = vector.shape_cast %slice3A_481 : vector<32x1024xf32> to vector<1x32x1024xf32>
    tpu.vector_store %arg2[%swap3A_482, %swap3A_483, %swap3A_484], %swap3A_487 {strides = array<i32>} : memref<2x1024x1024xf32, #tpu.memory_space<vmem>>, vector<1x32x1024xf32>,
    %slice3A_488 = vector.extract_strided_slice %get3A_284 {offsets = [0, 64], sizes = [32, 1024], strides = [1, 1]} : vector<32x2048xf32> to vector<32x1024xf32>
    %swap3A_489 = arith.constant 1 : index
    %swap3A_490 = arith.constant 928 : index
    %swap3A_491 = arith.constant 0 : index
    %swap3A_492 = vector.load %arg2[%swap3A_489, %swap3A_490, %swap3A_491] : memref<2x1024x1024xf32, #tpu.memory_space<vmem>>, vector<1x32x1024xf32>
    %swap3A_493 = vector.shape_cast %swap3A_492 : vector<1x32x1024xf32> to vector<32x1024xf32>
    %swap3A_494 = vector.shape_cast %slice3A_488 : vector<32x1024xf32> to vector<1x32x1024xf32>
    tpu.vector_store %arg2[%swap3A_489, %swap3A_490, %swap3A_491], %swap3A_494 {strides = array<i32>} : memref<2x1024x1024xf32, #tpu.memory_space<vmem>>, vector<1x32x1024xf32>,
    %slice3A_495 = vector.extract_strided_slice %get3A_284 {offsets = [0, 32], sizes = [32, 1024], strides = [1, 1]} : vector<32x2048xf32> to vector<32x1024xf32>
    %swap3A_496 = arith.constant 1 : index
    %swap3A_497 = arith.constant 960 : index
    %swap3A_498 = arith.constant 0 : index
    %swap3A_499 = vector.load %arg2[%swap3A_496, %swap3A_497, %swap3A_498] : memref<2x1024x1024xf32, #tpu.memory_space<vmem>>, vector<1x32x1024xf32>
    %swap3A_500 = vector.shape_cast %swap3A_499 : vector<1x32x1024xf32> to vector<32x1024xf32>
    %swap3A_501 = vector.shape_cast %slice3A_495 : vector<32x1024xf32> to vector<1x32x1024xf32>
    tpu.vector_store %arg2[%swap3A_496, %swap3A_497, %swap3A_498], %swap3A_501 {strides = array<i32>} : memref<2x1024x1024xf32, #tpu.memory_space<vmem>>, vector<1x32x1024xf32>,
    %slice3A_502 = vector.extract_strided_slice %get3A_284 {offsets = [0, 0], sizes = [32, 1024], strides = [1, 1]} : vector<32x2048xf32> to vector<32x1024xf32>
    %swap3A_503 = arith.constant 1 : index
    %swap3A_504 = arith.constant 992 : index
    %swap3A_505 = arith.constant 0 : index
    %swap3A_506 = vector.load %arg2[%swap3A_503, %swap3A_504, %swap3A_505] : memref<2x1024x1024xf32, #tpu.memory_space<vmem>>, vector<1x32x1024xf32>
    %swap3A_507 = vector.shape_cast %swap3A_506 : vector<1x32x1024xf32> to vector<32x1024xf32>
    %swap3A_508 = vector.shape_cast %slice3A_502 : vector<32x1024xf32> to vector<1x32x1024xf32>
    tpu.vector_store %arg2[%swap3A_503, %swap3A_504, %swap3A_505], %swap3A_508 {strides = array<i32>} : memref<2x1024x1024xf32, #tpu.memory_space<vmem>>, vector<1x32x1024xf32>,
    return
  }
  func.func @transform_1(%arg0: i32) -> (i32, i32, i32) {
    %c0_i32 = arith.constant 0 : i32
    %c0_i32_0 = arith.constant 0 : i32
    %c0_i32_1 = arith.constant 0 : i32
    return %arg0, %c0_i32, %c0_i32_0 : i32, i32, i32
  }
}

</mosaic_0001>

<sc_bundles>
// kernel: kernel.4.cloned.1.call-start
scs
__scs_entry_jumppad:
0x0: {  	(pc) =	sbr.rel $0x88, $3  }
0x1: {  	(tag) =	ssettag $0x0;
	lr =	simm.s32 $0x1  }
0x2: {  	[smem:$0x3FA0] =	sst lr;
	_ =	strace $0xD0000000  }
0x3: {  	_ = 	snop  }
0x4: {  	_ = 	snop  }
0x5: {  	_ = 	snop  }
0x6: {  	_ = 	snop  }
0x7: {  	_ = 	snop  }
__scs_overlays_trampoline_lowered:
0x8: {  	[smem:$0x3FAF] =	sst s0  }
0x9: {  	[smem:$0x3FB0] =	sst s1  }
0xa: {  	[smem:$0x3FB1] =	sst s2  }
0xb: {  	[smem:$0x3FB2] =	sst s3  }
0xc: {  	[smem:$0x3FB3] =	sst s4  }
0xd: {  	[smem:$0x3FB4] =	sst s5  }
0xe: {  	[smem:$0x3FB5] =	sst s6  }
0xf: {  	[smem:$0x3FB6] =	sst s7  }
0x10: {  	[smem:$0x3FB7] =	sst s8  }
0x11: {  	[smem:$0x3FB8] =	sst s9;
	s0 =	simm.s32 @!p0 $0x0  }
0x12: {  	s1 =	sld [smem:$0x3F9E];
	s0 =	simm.s32 @p0 $0x1  }
0x13: {  	[smem:$0x3FB9] =	sst s0;
	s0 =	simm.s32 @!p1 $0x0  }
0x14: {  	s2 =	sld [smem:$0x3F9D];
	s0 =	simm.s32 @p1 $0x1  }
0x15: {  	[smem:$0x3FBA] =	sst s0;
	s0 =	simm.s32 @!p2 $0x0  }
0x16: {  	s3 =	sld [smem:$0x3FDB];
	s0 =	simm.s32 @p2 $0x1  }
0x17: {  	s4 =	simm.s32 $0x1BF5;
	[smem:$0x3FBC] =	sst s0  }
0x18: {  	s0 =	sld [smem:$0x3F9F];
	_ =	swait.ge [sflag:s4], $0x0  }
0x19: {  	s7 =	sld [smem:$0x3FA0]  }
0x1a: {  	s8 =	sadd.s32 $0xFFFFE003, lr  }
0x1b: {  	s9 =	sadd.s32 $0xFFFFFEF7, lr;
	s5 =	simm.s32 $0xFFFFFFFF;
	p2 =	slt.u32 s8, $0xFFFFF086  }
0x1c: {  	p1 =	slt.u32 s9, $0xF7A;
	s5 =	simm.s32 @!p2 $0x0  }
0x1d: {  	s5 =	simm.s32 @p1 $0x1;
	p0 =	seq.s32 s7, s2  }
0x1e: {  	s7 =	smul.u32 @!p0 $0xF7A, s2;
	p2 =	seq.s32 @!p0 s5, $0x0  }
0x1f: {  	s9 =	smul.u32 $0xF7A, s1;
	s8 =	simm.s32 @!p0 $0x1BF5;
	p2 =	por !p2, p0  }
0x20: {  	[sflag:s8] =	ssyncset.s32 @!p0 $0xFFFFF086;
	s6 =	sadd.s32 @!p0 s3, s7;
	s7 =	simm.s32 @!p0 $0x108  }
0x21: {  	s3 =	sadd.s32 s3, s9;
	s6 =	sadd.s32 @!p0 $0x88, s6;
	s7 =	simm.s32 @p2 $0x1082  }
0x22: {  	[simem:s7], [sflag:s8] =	dma.local @!p0 [hbm:s6], $0xF7A  }
0x23: {  	s9 =	sor.u32 $0xD0000000, s2;
	s6 =	simm.s32 $0x108;
	_ =	swait.ge @!p0 [sflag:s8], $0x0  }
0x24: {  	s3 =	sadd.s32 $0x88, s3;
	s6 =	simm.s32 @!p1 $0x1082;
	[sflag:s4] =	ssyncset.s32 $0xFFFFF086  }
0x25: {  	[simem:s6], [sflag:s4] =	dma.local [hbm:s3], $0xF7A  }
0x26: {  	[smem:$0x3FA0] =	sst s1;
	(tag) =	ssettag s2;
	_ =	strace s9  }
0x27: {  	s1 =	sld [smem:$0x3FB0]  }
0x28: {  	s2 =	sld [smem:$0x3FB1]  }
0x29: {  	s4 =	sld [smem:$0x3FB3]  }
0x2a: {  	p0 =	seq.s32 s5, $0x0;
	s5 =	sld [smem:$0x3FB4]  }
0x2b: {  	s6 =	sld [smem:$0x3FB5]  }
0x2c: {  	s7 =	sld [smem:$0x3FB6]  }
0x2d: {  	s3 =	simm.s32 $0x108;
	s8 =	sld [smem:$0x3FB7]  }
0x2e: {  	s3 =	simm.s32 @!p0 $0x1082;
	s9 =	sld [smem:$0x3FB8]  }
0x2f: {  	lr =	sadd.s32 s0, s3;
	s0 =	sld [smem:$0x3FAF]  }
0x30: {  	s3 =	sld [smem:$0x3FB2]  }
0x31: {  	[smem:$0x3FBB] =	sst s10  }
0x32: {  	s10 =	sld [smem:$0x3FB9];
	_ =	sdelay $0x3  }
0x33: {  	p0 =	seq.s32 s10, $0x1;
	s10 =	sld [smem:$0x3FBB];
	_ =	sdelay $0x3  }
0x34: {  	[smem:$0x3FBB] =	sst s10  }
0x35: {  	s10 =	sld [smem:$0x3FBA];
	_ =	sdelay $0x3  }
0x36: {  	p1 =	seq.s32 s10, $0x1;
	s10 =	sld [smem:$0x3FBB];
	_ =	sdelay $0x3  }
0x37: {  	[smem:$0x3FBB] =	sst s10  }
0x38: {  	s10 =	sld [smem:$0x3FBC]  }
0x39: {  	_ = 	snop;
	(pc) =	sbr.ind lr, $3  }
0x3a: {  	_ = 	snop  }
0x3b: {  	_ = 	snop  }
0x3c: {  	p2 =	seq.s32 s10, $0x1;
	s10 =	sld [smem:$0x3FBB]  }
0x3d: {  	_ =	shalt  }
0x3e: {  	_ =	shalt  }
0x3f: {  	_ =	shalt  }
0x40: {  	_ =	shalt  }
0x41: {  	_ =	shalt  }
0x42: {  	_ =	shalt  }
0x43: {  	_ =	shalt  }
0x44: {  	_ =	shalt  }
0x45: {  	_ =	shalt  }
0x46: {  	_ =	shalt  }
0x47: {  	_ =	shalt  }
0x48: {  	_ =	shalt  }
0x49: {  	_ =	shalt  }
0x4a: {  	_ =	shalt  }
0x4b: {  	_ =	shalt  }
0x4c: {  	_ =	shalt  }
0x4d: {  	_ =	shalt  }
0x4e: {  	_ =	shalt  }
0x4f: {  	_ =	shalt  }
0x50: {  	_ =	shalt  }
0x51: {  	_ =	shalt  }
0x52: {  	_ =	shalt  }
0x53: {  	_ =	shalt  }
0x54: {  	_ =	shalt  }
0x55: {  	_ =	shalt  }
0x56: {  	_ =	shalt  }
0x57: {  	_ =	shalt  }
0x58: {  	_ =	shalt  }
0x59: {  	_ =	shalt  }
0x5a: {  	_ =	shalt  }
0x5b: {  	_ =	shalt  }
0x5c: {  	_ =	shalt  }
0x5d: {  	_ =	shalt  }
0x5e: {  	_ =	shalt  }
0x5f: {  	_ =	shalt  }
0x60: {  	_ =	shalt  }
0x61: {  	_ =	shalt  }
0x62: {  	_ =	shalt  }
0x63: {  	_ =	shalt  }
0x64: {  	_ =	shalt  }
0x65: {  	_ =	shalt  }
0x66: {  	_ =	shalt  }
0x67: {  	_ =	shalt  }
0x68: {  	_ =	shalt  }
0x69: {  	_ =	shalt  }
0x6a: {  	_ =	shalt  }
0x6b: {  	_ =	shalt  }
0x6c: {  	_ =	shalt  }
0x6d: {  	_ =	shalt  }
0x6e: {  	_ =	shalt  }
0x6f: {  	_ =	shalt  }
0x70: {  	_ =	shalt  }
0x71: {  	_ =	shalt  }
0x72: {  	_ =	shalt  }
0x73: {  	_ =	shalt  }
0x74: {  	_ =	shalt  }
0x75: {  	_ =	shalt  }
0x76: {  	_ =	shalt  }
0x77: {  	_ =	shalt  }
0x78: {  	_ =	shalt  }
0x79: {  	_ =	shalt  }
0x7a: {  	_ =	shalt  }
0x7b: {  	_ =	shalt  }
0x7c: {  	_ =	shalt  }
0x7d: {  	_ =	shalt  }
0x7e: {  	_ =	shalt  }
0x7f: {  	_ =	shalt  }
0x80: {  	_ =	shalt  }
0x81: {  	_ =	shalt  }
0x82: {  	_ =	shalt  }
0x83: {  	_ =	shalt  }
0x84: {  	_ =	shalt  }
0x85: {  	_ =	shalt  }
0x86: {  	_ =	shalt  }
0x87: {  	_ =	shalt  }
.Lfunc_end0:
.L_simem_size_0:
called_computation_lowered:
.L_overlay_start_0:
0x88: {  	s2 =	sld [smem:$0x3FD9]  }
0x89: {  	s3 =	sld [smem:$0x3FFE];
	_ =	sdelay $0x1  }
0x8a: {  	s1 =	srdreg.scid  }
0x8b: {  	s0 =	sand.u32 $0x1, s1  }
0x8c: {  	s17 =	sshll.u32 s0, $0xA;
	s2 =	sadd.s32 s3, s2  }
0x8d: {  	s2 =	sadd.s32 s2, s17  }
0x8e: {  	[smem:$0x3FC7] =	sst s2  }
0x8f: {  	_ = 	snop  }
0x90: {  	s2 =	sld [smem:$0x3FD0];
	(tm) =	ssettm $0x1  }
0x91: {  	s18 =	sld [smem:$0x3FFB];
	_ =	sdelay $0x3  }
0x92: {  	_ =	strace s18  }
0x93: {  	s3 =	sld [smem:$0x3FFC];
	_ =	sdelay $0x3  }
0x94: {  	_ =	strace s3  }
0x95: {  	s3 =	sld [smem:$0x3FFD];
	_ =	sdelay $0x3  }
0x96: {  	_ =	strace s3  }
0x97: {  	_ =	strace $0x8FFFFFFF  }
0x98: {  	s19 =	sld [smem:$0x3FDB];
	_ =	sdelay $0x1  }
0x99: {  	s4 =	simm.s32 $_scs_section_size  }
0x9a: {  	s5 =	simm.s32 $_size__tile_overlayer_lowered;
	s6 =	simm.s32 $_tile_overlayer_lowered  }
0x9b: {  	s22 =	simm.s32 $0x1BFF;
	s21 =	sshll.u32 s6, $0x1;
	s3 =	sadd.s32 s4, s19  }
0x9c: {  	s7 =	simm.s32 $0x0;
	s20 =	sshll.u32 s5, $0x1;
	s5 =	sadd.s32 s21, s3  }
0x9d: {  	[timem:s7], [sflag:s22] =	dma.local [hbm:s5], s20  }
0x9e: {  	_ =	swait.ge [sflag:s22], s20  }
0x9f: {  	s4 =	ssub.s32 $0x0, s20;
	[sflag:s22] =	ssyncset.done $0x0  }
0xa0: {  	[sflag:s22] =	ssyncadd.s32 s4;
	_ =	sdelay $0x1  }
0xa1: {  	s23 =	simm.s32 $0x1B8B  }
0xa2: {  	_ =	swait.ge [sflag:s23], $0x1  }
0xa3: {  	[sflag:s23] =	ssyncset.done $0x0  }
0xa4: {  	s25 =	simm.s32 $0x1B8E;
	s24 =	sld [smem:$0x3FFE];
	[sflag:s23] =	ssyncadd.s32 $0xFFFFFFFF  }
0xa5: {  	s26 =	simm.s32 $execute0_lowered;
	[smem:$0x3FD2] =	sst s25  }
0xa6: {  	s5 =	sshll.u32 s26, $0x1;
	_ =	strace $0x80000046;
	[dreg:$0x1] =	wrdreg $0xFFFFFFFF  }
0xa7: {  	s28 =	simm.s32 $_size_execute0_lowered;
	s3 =	sadd.s32 s3, s5;
	[dreg:$0x0] =	wrdreg $0x0  }
0xa8: {  	s5 =	sshll.u32 s28, $0x1;
	[dreg:$0x2] =	wrdreg s3  }
0xa9: {  	[dreg:$0x3] =	wrdreg s5  }
0xaa: {  	[dreg:$0x4] =	wrdreg $0xC0  }
0xab: {  	_ =	task [dreg:s7], $0x5FFFF  }
0xac: {  	[dreg:$0x1] =	wrdreg $0xFFFFFFFF  }
0xad: {  	[dreg:$0x0] =	wrdreg $0x60  }
0xae: {  	[dreg:$0x2] =	wrdreg s24  }
0xaf: {  	[dreg:$0x3] =	wrdreg s2  }
0xb0: {  	[dreg:$0x4] =	wrdreg $0x9  }
0xb1: {  	_ =	task.clear_ibuf [dreg:s7], $0x5FFFF;
	_ =	strace $0x90000046  }
0xb2: {  	s29 =	simm.s32 $0x9;
	_ =	strace $0x80000048  }
0xb3: {  	_ =	swait.ge [sflag:s29], $0x1  }
0xb4: {  	[sflag:s29] =	ssyncadd.s32 $0xFFFFFFFF  }
0xb5: {  	_ =	strace $0x90000048  }
0xb6: {  	_ =	sfence  }
0xb7: {  	s30 =	sld [smem:$0x0];
	_ =	sdelay $0x2  }
0xb8: {  	s31 =	sshll.u32 s1, $0xD;
	s1 =	sshrl.u32 s1, $0x2  }
0xb9: {  	s3 =	sand.u32 $0x4000, s31;
	s1 =	sadd.s32 s1, s30  }
0xba: {  	s0 =	sor.u32 s3, s0;
	s1 =	sshll.u32 s1, $0x11  }
0xbb: {  	s0 =	sor.u32 s1, s0  }
0xbc: {  	s0 =	sadd.s32 $0x8F2B, s0  }
0xbd: {  	[sflag:s0] =	ssyncadd.remote.s32 $0x1  }
0xbe: {  	_ =	sfence.sel $0xFFFF  }
0xbf: {  	[dreg:$0x0] =	wrdreg $0xFFFFFFFF;
	(pc) =	sbr.abs _section_cstart, $3  }
0xc0: {  	[dreg:$0x1] =	wrdreg $0xFFFFFFFF  }
0xc1: {  	_ =	task.clear_ibuf [dreg:s7], $0x2FFFF;
	_ =	strace $0x9FFFFFFF  }
0xc2: {  	(tm) =	ssettm $0x7FFFFFFF  }
0xc3: {  	_ =	shalt  }
tec
execute0_lowered:
.L_overlay_start_1:
0x0: {  	(tag) =	ssettag $0x1  }
0x1: {  	s0 =	rddreg [dreg:$0x0]  }
0x2: {  	s2 =	rddreg [dreg:$0x1];
	s1 =	simm.s32 $0x0;
	s3 =	srdreg.scid  }
0x3: {  	s7 =	stileid.u32;
	s17 =	simm.s32 $0x12038;
	s19 =	simm.s32 $0x12840  }
0x4: {  	s21 =	simm.s32 $0x13048;
	s28 =	simm.s32 $0x15870;
	s29 =	simm.s32 $0x16078  }
0x5: {  	s30 =	simm.s32 $0x16880;
	s31 =	simm.s32 $0x17088;
	[smem:$0x7FF] =	sst s1  }
0x6: {  	s4 =	sand.u32 $0x1, s3;
	s3 =	sadd.s32 $0x400, s0;
	s23 =	sshll.u32 s7, $0x9  }
0x7: {  	s24 =	sshll.u32 s7, $0x7;
	s7 =	simm.s32 $0xF810;
	_ =	strace $0x80000047  }
0x8: {  	s5 =	ssub.s32 $0x2, s4;
	s6 =	sshll.u32 s4, $0x8;
	s25 =	sshll.u32 s4, $0x6  }
0x9: {  	s22 =	sshrl.u32 s5, $0x1;
	s26 =	sor.u32 s25, s24;
	s24 =	simm.s32 $0x14058  }
0xa: {  	v0 =	vlaneseq.u32;
	s25 =	simm.s32 $0x14860;
	s0 =	ssub.s32 s5, s22;
	s5 =	sor.u32 s6, s23  }
0xb: {  	v0 =	vmul.u32 $0x808, v0;
	s6 =	simm.s32 $0x1;
	s23 =	simm.s32 $0x13850;
	s4 =	sadd.s32 s2, s5  }
0xc: {  	v1 =	vimm.s32 $0x0;
	vm0 =	vcmask $0x300;
	s5 =	smax.u32 s0, $0x1;
	s0 =	sshrl.u32 s26, $0x2;
	s26 =	simm.s32 $0x15068  }
0xd: {  	v1 =	vsel vm0, $0x3, v1;
	v2 =	vor.u32 $0x7, v0;
	v4 =	vor.u32 $0x6, v0;
	s8 =	sadd.s32 $0x2000, s4;
	s10 =	sadd.s32 $0x4000, s4;
	s12 =	sadd.s32 $0x6000, s4  }
0xe: {  	v5 =	vor.u32 $0x5, v0;
	v6 =	vor.u32 $0x4, v0;
	v7 =	vor.u32 $0x3, v0;
	s14 =	sadd.s32 $0x8000, s4;
	s16 =	sadd.s32 $0xA000, s4;
	s18 =	sadd.s32 $0xC000, s4  }
0xf: {  	v8 =	vor.u32 $0x2, v0;
	v9 =	vor.u32 $0x1, v0;
	s20 =	sadd.s32 $0xE000, s4;
	s22 =	sadd.s32 $0x10000, s4;
	v3 =	vmov s0;
	s0 =	simm.s32 $0x0  }
.LBB2_1:
0x10: {  	s2 =	simm.s32 $0x1F  }
0x11: {  	v10 =	vmov s2  }
0x12: {  	[tilespmem:s1], [sflag:$0x1] =	stream.linear.gather [hbm4b:s3+s1], $0xF810, $0x38;
	v10 =	vshrl.u32 v10, $0x3;
	[tilespmem:$0x17890] =	vst v63  }
0x13: {  	_ =	swait.ge [sflag:s6], $0xF810;
	v10 =	vshll.u32 v10, v1  }
0x14: {  	[sflag:s6] =	ssyncset.done $0x0;
	v10 =	vbroadcast v10, $0x0  }
0x15: {  	s2 =	simm.s32 $0x0;
	[sflag:s6] =	ssyncadd.s32 $0xFFFF07F0  }
0x16: {  	s9 =	simm.s32 $0x1E;
	v11 =	vld.idx.msk [tilespmem:v3+s2+$0xF420 ss:$0x1], $0xffff;
	v10 =	vadd.s32 v2, v10  }
0x17: {  	v12 =	vmov s9  }
0x18: {  	v12 =	vshrl.u32 v12, $0x3  }
0x19: {  	v12 =	vshll.u32 v12, v1  }
0x1a: {  	v12 =	vbroadcast v12, $0x0  }
0x1b: {  	[tilespmem:v10+s7+$0x0] =	vst.idx.msk $0xffff, v11  }
0x1c: {  	s15 =	simm.s32 $0x1D;
	v11 =	vadd.s32 v4, v12;
	v10 =	vld.idx.msk [tilespmem:v3+s2+$0xF430 ss:$0x1], $0xffff  }
0x1d: {  	v41 =	vmov s15  }
0x1e: {  	v12 =	vshrl.u32 v41, $0x3  }
0x1f: {  	v12 =	vshll.u32 v12, v1  }
0x20: {  	v12 =	vbroadcast v12, $0x0  }
0x21: {  	[tilespmem:v11+s7+$0x0] =	vst.idx.msk $0xffff, v10  }
0x22: {  	s11 =	simm.s32 $0x1C;
	v11 =	vadd.s32 v5, v12;
	v10 =	vld.idx.msk [tilespmem:v3+s2+$0xF440 ss:$0x1], $0xffff  }
0x23: {  	v42 =	vmov s11  }
0x24: {  	v12 =	vshrl.u32 v42, $0x3  }
0x25: {  	v12 =	vshll.u32 v12, v1  }
0x26: {  	v12 =	vbroadcast v12, $0x0  }
0x27: {  	[tilespmem:v11+s7+$0x0] =	vst.idx.msk $0xffff, v10  }
0x28: {  	s13 =	simm.s32 $0x1B;
	v11 =	vadd.s32 v6, v12;
	v10 =	vld.idx.msk [tilespmem:v3+s2+$0xF450 ss:$0x1], $0xffff  }
0x29: {  	v43 =	vmov s13  }
0x2a: {  	v12 =	vshrl.u32 v43, $0x3  }
0x2b: {  	v12 =	vshll.u32 v12, v1  }
0x2c: {  	v12 =	vbroadcast v12, $0x0  }
0x2d: {  	[tilespmem:v11+s7+$0x0] =	vst.idx.msk $0xffff, v10  }
0x2e: {  	s15 =	simm.s32 $0x1A;
	v11 =	vadd.s32 v7, v12;
	v10 =	vld.idx.msk [tilespmem:v3+s2+$0xF460 ss:$0x1], $0xffff  }
0x2f: {  	v44 =	vmov s15  }
0x30: {  	v12 =	vshrl.u32 v44, $0x3  }
0x31: {  	v12 =	vshll.u32 v12, v1  }
0x32: {  	v12 =	vbroadcast v12, $0x0  }
0x33: {  	[tilespmem:v11+s7+$0x0] =	vst.idx.msk $0xffff, v10  }
0x34: {  	s11 =	simm.s32 $0x19;
	v11 =	vadd.s32 v8, v12;
	v10 =	vld.idx.msk [tilespmem:v3+s2+$0xF470 ss:$0x1], $0xffff  }
0x35: {  	v45 =	vmov s11  }
0x36: {  	v12 =	vshrl.u32 v45, $0x3  }
0x37: {  	v12 =	vshll.u32 v12, v1  }
0x38: {  	v12 =	vbroadcast v12, $0x0  }
0x39: {  	[tilespmem:v11+s7+$0x0] =	vst.idx.msk $0xffff, v10  }
0x3a: {  	s13 =	simm.s32 $0x18;
	v11 =	vadd.s32 v9, v12;
	v10 =	vld.idx.msk [tilespmem:v3+s2+$0xF480 ss:$0x1], $0xffff  }
0x3b: {  	v46 =	vmov s13  }
0x3c: {  	v12 =	vshrl.u32 v46, $0x3  }
0x3d: {  	v12 =	vshll.u32 v12, v1  }
0x3e: {  	v12 =	vbroadcast v12, $0x0  }
0x3f: {  	[tilespmem:v11+s7+$0x0] =	vst.idx.msk $0xffff, v10  }
0x40: {  	s15 =	simm.s32 $0x17;
	v11 =	vadd.s32 v0, v12;
	v10 =	vld.idx.msk [tilespmem:v3+s2+$0xF490 ss:$0x1], $0xffff  }
0x41: {  	v47 =	vmov s15  }
0x42: {  	v12 =	vshrl.u32 v47, $0x3  }
0x43: {  	v12 =	vshll.u32 v12, v1  }
0x44: {  	v12 =	vbroadcast v12, $0x0  }
0x45: {  	[tilespmem:v11+s7+$0x0] =	vst.idx.msk $0xffff, v10  }
0x46: {  	s11 =	simm.s32 $0x16;
	v11 =	vadd.s32 v2, v12;
	v10 =	vld.idx.msk [tilespmem:v3+s2+$0xF4A0 ss:$0x1], $0xffff  }
0x47: {  	v48 =	vmov s11  }
0x48: {  	v12 =	vshrl.u32 v48, $0x3  }
0x49: {  	v12 =	vshll.u32 v12, v1  }
0x4a: {  	v12 =	vbroadcast v12, $0x0  }
0x4b: {  	[tilespmem:v11+s7+$0x0] =	vst.idx.msk $0xffff, v10  }
0x4c: {  	s13 =	simm.s32 $0x15;
	v11 =	vadd.s32 v4, v12;
	v10 =	vld.idx.msk [tilespmem:v3+s2+$0xF4B0 ss:$0x1], $0xffff  }
0x4d: {  	v49 =	vmov s13  }
0x4e: {  	v12 =	vshrl.u32 v49, $0x3  }
0x4f: {  	v12 =	vshll.u32 v12, v1  }
0x50: {  	v12 =	vbroadcast v12, $0x0  }
0x51: {  	[tilespmem:v11+s7+$0x0] =	vst.idx.msk $0xffff, v10  }
0x52: {  	s15 =	simm.s32 $0x14;
	v11 =	vadd.s32 v5, v12;
	v10 =	vld.idx.msk [tilespmem:v3+s2+$0xF4C0 ss:$0x1], $0xffff  }
0x53: {  	v50 =	vmov s15  }
0x54: {  	v12 =	vshrl.u32 v50, $0x3  }
0x55: {  	v12 =	vshll.u32 v12, v1  }
0x56: {  	v12 =	vbroadcast v12, $0x0  }
0x57: {  	[tilespmem:v11+s7+$0x0] =	vst.idx.msk $0xffff, v10  }
0x58: {  	s11 =	simm.s32 $0x13;
	v11 =	vadd.s32 v6, v12;
	v10 =	vld.idx.msk [tilespmem:v3+s2+$0xF4D0 ss:$0x1], $0xffff  }
0x59: {  	v51 =	vmov s11  }
0x5a: {  	v12 =	vshrl.u32 v51, $0x3  }
0x5b: {  	v12 =	vshll.u32 v12, v1  }
0x5c: {  	v12 =	vbroadcast v12, $0x0  }
0x5d: {  	[tilespmem:v11+s7+$0x0] =	vst.idx.msk $0xffff, v10  }
0x5e: {  	s13 =	simm.s32 $0x12;
	v11 =	vadd.s32 v7, v12;
	v10 =	vld.idx.msk [tilespmem:v3+s2+$0xF4E0 ss:$0x1], $0xffff  }
0x5f: {  	v52 =	vmov s13  }
0x60: {  	v12 =	vshrl.u32 v52, $0x3  }
0x61: {  	v12 =	vshll.u32 v12, v1  }
0x62: {  	v12 =	vbroadcast v12, $0x0  }
0x63: {  	[tilespmem:v11+s7+$0x0] =	vst.idx.msk $0xffff, v10  }
0x64: {  	s15 =	simm.s32 $0x11;
	v11 =	vadd.s32 v8, v12;
	v10 =	vld.idx.msk [tilespmem:v3+s2+$0xF4F0 ss:$0x1], $0xffff  }
0x65: {  	v53 =	vmov s15  }
0x66: {  	v12 =	vshrl.u32 v53, $0x3  }
0x67: {  	v12 =	vshll.u32 v12, v1  }
0x68: {  	v12 =	vbroadcast v12, $0x0  }
0x69: {  	[tilespmem:v11+s7+$0x0] =	vst.idx.msk $0xffff, v10  }
0x6a: {  	s11 =	simm.s32 $0x10;
	v11 =	vadd.s32 v9, v12;
	v10 =	vld.idx.msk [tilespmem:v3+s2+$0xF500 ss:$0x1], $0xffff  }
0x6b: {  	v54 =	vmov s11  }
0x6c: {  	v12 =	vshrl.u32 v54, $0x3  }
0x6d: {  	v12 =	vshll.u32 v12, v1  }
0x6e: {  	v12 =	vbroadcast v12, $0x0  }
0x6f: {  	[tilespmem:v11+s7+$0x0] =	vst.idx.msk $0xffff, v10  }
0x70: {  	s13 =	simm.s32 $0xF;
	v11 =	vadd.s32 v0, v12;
	v10 =	vld.idx.msk [tilespmem:v3+s2+$0xF510 ss:$0x1], $0xffff  }
0x71: {  	v55 =	vmov s13  }
0x72: {  	v12 =	vshrl.u32 v55, $0x3  }
0x73: {  	v12 =	vshll.u32 v12, v1  }
0x74: {  	v12 =	vbroadcast v12, $0x0  }
0x75: {  	[tilespmem:v11+s7+$0x0] =	vst.idx.msk $0xffff, v10  }
0x76: {  	s15 =	simm.s32 $0xE;
	v11 =	vadd.s32 v2, v12;
	v10 =	vld.idx.msk [tilespmem:v3+s2+$0xF520 ss:$0x1], $0xffff  }
0x77: {  	v56 =	vmov s15  }
0x78: {  	v12 =	vshrl.u32 v56, $0x3  }
0x79: {  	v12 =	vshll.u32 v12, v1  }
0x7a: {  	v12 =	vbroadcast v12, $0x0  }
0x7b: {  	[tilespmem:v11+s7+$0x0] =	vst.idx.msk $0xffff, v10  }
0x7c: {  	s11 =	simm.s32 $0xD;
	v11 =	vadd.s32 v4, v12;
	v10 =	vld.idx.msk [tilespmem:v3+s2+$0xF530 ss:$0x1], $0xffff  }
0x7d: {  	v57 =	vmov s11  }
0x7e: {  	v12 =	vshrl.u32 v57, $0x3  }
0x7f: {  	v12 =	vshll.u32 v12, v1  }
0x80: {  	v12 =	vbroadcast v12, $0x0  }
0x81: {  	[tilespmem:v11+s7+$0x0] =	vst.idx.msk $0xffff, v10  }
0x82: {  	s13 =	simm.s32 $0xC;
	v11 =	vadd.s32 v5, v12;
	v10 =	vld.idx.msk [tilespmem:v3+s2+$0xF540 ss:$0x1], $0xffff  }
0x83: {  	v58 =	vmov s13  }
0x84: {  	v12 =	vshrl.u32 v58, $0x3  }
0x85: {  	v12 =	vshll.u32 v12, v1  }
0x86: {  	v12 =	vbroadcast v12, $0x0  }
0x87: {  	[tilespmem:v11+s7+$0x0] =	vst.idx.msk $0xffff, v10  }
0x88: {  	s15 =	simm.s32 $0xB;
	v11 =	vadd.s32 v6, v12;
	v10 =	vld.idx.msk [tilespmem:v3+s2+$0xF550 ss:$0x1], $0xffff  }
0x89: {  	v59 =	vmov s15  }
0x8a: {  	v12 =	vshrl.u32 v59, $0x3  }
0x8b: {  	v12 =	vshll.u32 v12, v1  }
0x8c: {  	v12 =	vbroadcast v12, $0x0  }
0x8d: {  	[tilespmem:v11+s7+$0x0] =	vst.idx.msk $0xffff, v10  }
0x8e: {  	s11 =	simm.s32 $0xA;
	v11 =	vadd.s32 v7, v12;
	v10 =	vld.idx.msk [tilespmem:v3+s2+$0xF560 ss:$0x1], $0xffff  }
0x8f: {  	v60 =	vmov s11  }
0x90: {  	v12 =	vshrl.u32 v60, $0x3  }
0x91: {  	v12 =	vshll.u32 v12, v1  }
0x92: {  	v12 =	vbroadcast v12, $0x0  }
0x93: {  	[tilespmem:v11+s7+$0x0] =	vst.idx.msk $0xffff, v10  }
0x94: {  	s13 =	simm.s32 $0x9;
	v11 =	vadd.s32 v8, v12;
	v10 =	vld.idx.msk [tilespmem:v3+s2+$0xF570 ss:$0x1], $0xffff  }
0x95: {  	v61 =	vmov s13  }
0x96: {  	v12 =	vshrl.u32 v61, $0x3  }
0x97: {  	v12 =	vshll.u32 v12, v1  }
0x98: {  	v12 =	vbroadcast v12, $0x0  }
0x99: {  	[tilespmem:v11+s7+$0x0] =	vst.idx.msk $0xffff, v10  }
0x9a: {  	s15 =	simm.s32 $0x8;
	v11 =	vadd.s32 v9, v12;
	v10 =	vld.idx.msk [tilespmem:v3+s2+$0xF580 ss:$0x1], $0xffff  }
0x9b: {  	v62 =	vmov s15  }
0x9c: {  	v12 =	vshrl.u32 v62, $0x3  }
0x9d: {  	v12 =	vshll.u32 v12, v1  }
0x9e: {  	v12 =	vbroadcast v12, $0x0  }
0x9f: {  	[tilespmem:v11+s7+$0x0] =	vst.idx.msk $0xffff, v10  }
0xa0: {  	v11 =	vadd.s32 v0, v12;
	v10 =	vld.idx.msk [tilespmem:v3+s2+$0xF590 ss:$0x1], $0xffff  }
0xa1: {  	v63 =	vmov s1  }
0xa2: {  	v12 =	vshrl.u32 v63, $0x3  }
0xa3: {  	v12 =	vshll.u32 v12, v1  }
0xa4: {  	v12 =	vbroadcast v12, $0x0  }
0xa5: {  	[tilespmem:v11+s7+$0x0] =	vst.idx.msk $0xffff, v10  }
0xa6: {  	v11 =	vadd.s32 v2, v12;
	v10 =	vld.idx.msk [tilespmem:v3+s2+$0xF5A0 ss:$0x1], $0xffff;
	_ =	sdelay $0x4  }
0xa7: {  	[tilespmem:v11+s7+$0x0] =	vst.idx.msk $0xffff, v10  }
0xa8: {  	v11 =	vadd.s32 v4, v12;
	v10 =	vld.idx.msk [tilespmem:v3+s2+$0xF5B0 ss:$0x1], $0xffff;
	_ =	sdelay $0x4  }
0xa9: {  	[tilespmem:v11+s7+$0x0] =	vst.idx.msk $0xffff, v10  }
0xaa: {  	v11 =	vadd.s32 v5, v12;
	v10 =	vld.idx.msk [tilespmem:v3+s2+$0xF5C0 ss:$0x1], $0xffff;
	_ =	sdelay $0x4  }
0xab: {  	[tilespmem:v11+s7+$0x0] =	vst.idx.msk $0xffff, v10  }
0xac: {  	v11 =	vadd.s32 v6, v12;
	v10 =	vld.idx.msk [tilespmem:v3+s2+$0xF5D0 ss:$0x1], $0xffff;
	_ =	sdelay $0x4  }
0xad: {  	[tilespmem:v11+s7+$0x0] =	vst.idx.msk $0xffff, v10  }
0xae: {  	v11 =	vadd.s32 v7, v12;
	v10 =	vld.idx.msk [tilespmem:v3+s2+$0xF5E0 ss:$0x1], $0xffff;
	_ =	sdelay $0x4  }
0xaf: {  	[tilespmem:v11+s7+$0x0] =	vst.idx.msk $0xffff, v10  }
0xb0: {  	v11 =	vadd.s32 v8, v12;
	v10 =	vld.idx.msk [tilespmem:v3+s2+$0xF5F0 ss:$0x1], $0xffff;
	_ =	sdelay $0x4  }
0xb1: {  	[tilespmem:v11+s7+$0x0] =	vst.idx.msk $0xffff, v10  }
0xb2: {  	v11 =	vadd.s32 v9, v12;
	v10 =	vld.idx.msk [tilespmem:v3+s2+$0xF600 ss:$0x1], $0xffff;
	_ =	sdelay $0x4  }
0xb3: {  	[tilespmem:v11+s7+$0x0] =	vst.idx.msk $0xffff, v10  }
0xb4: {  	s9 =	simm.s32 $0xFFFFF040;
	v11 =	vadd.s32 v0, v12;
	v10 =	vld.idx.msk [tilespmem:v3+s2+$0xF610 ss:$0x1], $0xffff  }
0xb5: {  	s13 =	simm.s32 $0x3F;
	s11 =	simm.s32 $0xFFFFE080;
	s2 =	simm.s32 $0x20  }
.LBB2_2:
0xb6: {  	p0 =	sne.s32 s11, $0xFFFC2F80;
	v12 =	vmov s13  }
0xb7: {  	v12 =	vshrl.u32 v12, $0x3  }
0xb8: {  	v12 =	vshll.u32 v12, v1  }
0xb9: {  	s13 =	sshra.s32 s9, $0x2;
	s9 =	smov.u32 s11;
	v12 =	vbroadcast v12, $0x0;
	[tilespmem:v11+s7+$0x0] =	vst.idx.msk $0xffff, v10  }
0xba: {  	v10 =	vld.idx.msk [tilespmem:v3+s13+$0xF420 ss:$0x1], $0xffff  }
0xbb: {  	v11 =	vadd.s32 v2, v12  }
0xbc: {  	s15 =	sadd.s32 $0x1E, s2  }
0xbd: {  	v12 =	vmov s15  }
0xbe: {  	v12 =	vshrl.u32 v12, $0x3  }
0xbf: {  	v12 =	vshll.u32 v12, v1  }
0xc0: {  	[tilespmem:v11+s7+$0x0] =	vst.idx.msk $0xffff, v10;
	v10 =	vbroadcast v12, $0x0  }
0xc1: {  	v11 =	vld.idx.msk [tilespmem:v3+s13+$0xF430 ss:$0x1], $0xffff  }
0xc2: {  	v10 =	vadd.s32 v4, v10  }
0xc3: {  	s15 =	sadd.s32 $0x1D, s2  }
0xc4: {  	v12 =	vmov s15  }
0xc5: {  	v12 =	vshrl.u32 v12, $0x3  }
0xc6: {  	v12 =	vshll.u32 v12, v1  }
0xc7: {  	[tilespmem:v10+s7+$0x0] =	vst.idx.msk $0xffff, v11;
	v10 =	vbroadcast v12, $0x0  }
0xc8: {  	v11 =	vld.idx.msk [tilespmem:v3+s13+$0xF440 ss:$0x1], $0xffff  }
0xc9: {  	v10 =	vadd.s32 v5, v10  }
0xca: {  	s15 =	sadd.s32 $0x1C, s2  }
0xcb: {  	v12 =	vmov s15  }
0xcc: {  	v12 =	vshrl.u32 v12, $0x3  }
0xcd: {  	v12 =	vshll.u32 v12, v1  }
0xce: {  	[tilespmem:v10+s7+$0x0] =	vst.idx.msk $0xffff, v11;
	v10 =	vbroadcast v12, $0x0  }
0xcf: {  	v11 =	vld.idx.msk [tilespmem:v3+s13+$0xF450 ss:$0x1], $0xffff  }
0xd0: {  	v10 =	vadd.s32 v6, v10  }
0xd1: {  	s15 =	sadd.s32 $0x1B, s2  }
0xd2: {  	v12 =	vmov s15  }
0xd3: {  	v12 =	vshrl.u32 v12, $0x3  }
0xd4: {  	v12 =	vshll.u32 v12, v1  }
0xd5: {  	[tilespmem:v10+s7+$0x0] =	vst.idx.msk $0xffff, v11;
	v10 =	vbroadcast v12, $0x0  }
0xd6: {  	v11 =	vld.idx.msk [tilespmem:v3+s13+$0xF460 ss:$0x1], $0xffff  }
0xd7: {  	v10 =	vadd.s32 v7, v10  }
0xd8: {  	s15 =	sadd.s32 $0x1A, s2  }
0xd9: {  	v12 =	vmov s15  }
0xda: {  	v12 =	vshrl.u32 v12, $0x3  }
0xdb: {  	v12 =	vshll.u32 v12, v1  }
0xdc: {  	[tilespmem:v10+s7+$0x0] =	vst.idx.msk $0xffff, v11;
	v10 =	vbroadcast v12, $0x0  }
0xdd: {  	v11 =	vld.idx.msk [tilespmem:v3+s13+$0xF470 ss:$0x1], $0xffff  }
0xde: {  	v10 =	vadd.s32 v8, v10  }
0xdf: {  	s15 =	sadd.s32 $0x19, s2  }
0xe0: {  	v12 =	vmov s15  }
0xe1: {  	v12 =	vshrl.u32 v12, $0x3  }
0xe2: {  	v12 =	vshll.u32 v12, v1  }
0xe3: {  	[tilespmem:v10+s7+$0x0] =	vst.idx.msk $0xffff, v11;
	v10 =	vbroadcast v12, $0x0  }
0xe4: {  	v11 =	vld.idx.msk [tilespmem:v3+s13+$0xF480 ss:$0x1], $0xffff  }
0xe5: {  	v10 =	vadd.s32 v9, v10  }
0xe6: {  	s15 =	sadd.s32 $0x18, s2  }
0xe7: {  	v12 =	vmov s15  }
0xe8: {  	v12 =	vshrl.u32 v12, $0x3  }
0xe9: {  	v12 =	vshll.u32 v12, v1  }
0xea: {  	[tilespmem:v10+s7+$0x0] =	vst.idx.msk $0xffff, v11;
	v10 =	vbroadcast v12, $0x0  }
0xeb: {  	v11 =	vld.idx.msk [tilespmem:v3+s13+$0xF490 ss:$0x1], $0xffff  }
0xec: {  	v10 =	vadd.s32 v0, v10  }
0xed: {  	s15 =	sadd.s32 $0x17, s2  }
0xee: {  	v12 =	vmov s15  }
0xef: {  	v12 =	vshrl.u32 v12, $0x3  }
0xf0: {  	v12 =	vshll.u32 v12, v1  }
0xf1: {  	[tilespmem:v10+s7+$0x0] =	vst.idx.msk $0xffff, v11;
	v10 =	vbroadcast v12, $0x0  }
0xf2: {  	v11 =	vld.idx.msk [tilespmem:v3+s13+$0xF4A0 ss:$0x1], $0xffff  }
0xf3: {  	v10 =	vadd.s32 v2, v10  }
0xf4: {  	s15 =	sadd.s32 $0x16, s2  }
0xf5: {  	v12 =	vmov s15  }
0xf6: {  	v12 =	vshrl.u32 v12, $0x3  }
0xf7: {  	v12 =	vshll.u32 v12, v1  }
0xf8: {  	[tilespmem:v10+s7+$0x0] =	vst.idx.msk $0xffff, v11;
	v10 =	vbroadcast v12, $0x0  }
0xf9: {  	v11 =	vld.idx.msk [tilespmem:v3+s13+$0xF4B0 ss:$0x1], $0xffff  }
0xfa: {  	v10 =	vadd.s32 v4, v10  }
0xfb: {  	s15 =	sadd.s32 $0x15, s2  }
0xfc: {  	v12 =	vmov s15  }
0xfd: {  	v12 =	vshrl.u32 v12, $0x3  }
0xfe: {  	v12 =	vshll.u32 v12, v1  }
0xff: {  	[tilespmem:v10+s7+$0x0] =	vst.idx.msk $0xffff, v11;
	v10 =	vbroadcast v12, $0x0  }
0x100: {  	v11 =	vld.idx.msk [tilespmem:v3+s13+$0xF4C0 ss:$0x1], $0xffff  }
0x101: {  	v10 =	vadd.s32 v5, v10  }
0x102: {  	s15 =	sadd.s32 $0x14, s2  }
0x103: {  	v12 =	vmov s15  }
0x104: {  	v12 =	vshrl.u32 v12, $0x3  }
0x105: {  	v12 =	vshll.u32 v12, v1  }
0x106: {  	[tilespmem:v10+s7+$0x0] =	vst.idx.msk $0xffff, v11;
	v10 =	vbroadcast v12, $0x0  }
0x107: {  	v11 =	vld.idx.msk [tilespmem:v3+s13+$0xF4D0 ss:$0x1], $0xffff  }
0x108: {  	v10 =	vadd.s32 v6, v10  }
0x109: {  	s15 =	sadd.s32 $0x13, s2  }
0x10a: {  	v12 =	vmov s15  }
0x10b: {  	v12 =	vshrl.u32 v12, $0x3  }
0x10c: {  	v12 =	vshll.u32 v12, v1  }
0x10d: {  	[tilespmem:v10+s7+$0x0] =	vst.idx.msk $0xffff, v11;
	v10 =	vbroadcast v12, $0x0  }
0x10e: {  	v11 =	vld.idx.msk [tilespmem:v3+s13+$0xF4E0 ss:$0x1], $0xffff  }
0x10f: {  	v10 =	vadd.s32 v7, v10  }
0x110: {  	s15 =	sadd.s32 $0x12, s2  }
0x111: {  	v12 =	vmov s15  }
0x112: {  	v12 =	vshrl.u32 v12, $0x3  }
0x113: {  	v12 =	vshll.u32 v12, v1  }
0x114: {  	[tilespmem:v10+s7+$0x0] =	vst.idx.msk $0xffff, v11;
	v10 =	vbroadcast v12, $0x0  }
0x115: {  	v11 =	vld.idx.msk [tilespmem:v3+s13+$0xF4F0 ss:$0x1], $0xffff  }
0x116: {  	v10 =	vadd.s32 v8, v10  }
0x117: {  	s15 =	sadd.s32 $0x11, s2  }
0x118: {  	v12 =	vmov s15  }
0x119: {  	v12 =	vshrl.u32 v12, $0x3  }
0x11a: {  	v12 =	vshll.u32 v12, v1  }
0x11b: {  	[tilespmem:v10+s7+$0x0] =	vst.idx.msk $0xffff, v11;
	v10 =	vbroadcast v12, $0x0  }
0x11c: {  	v11 =	vld.idx.msk [tilespmem:v3+s13+$0xF500 ss:$0x1], $0xffff  }
0x11d: {  	v10 =	vadd.s32 v9, v10  }
0x11e: {  	s15 =	sadd.s32 $0x10, s2  }
0x11f: {  	v12 =	vmov s15  }
0x120: {  	v12 =	vshrl.u32 v12, $0x3  }
0x121: {  	v12 =	vshll.u32 v12, v1  }
0x122: {  	[tilespmem:v10+s7+$0x0] =	vst.idx.msk $0xffff, v11;
	v10 =	vbroadcast v12, $0x0  }
0x123: {  	v11 =	vld.idx.msk [tilespmem:v3+s13+$0xF510 ss:$0x1], $0xffff  }
0x124: {  	v10 =	vadd.s32 v0, v10  }
0x125: {  	s15 =	sadd.s32 $0xF, s2  }
0x126: {  	v12 =	vmov s15  }
0x127: {  	v12 =	vshrl.u32 v12, $0x3  }
0x128: {  	v12 =	vshll.u32 v12, v1  }
0x129: {  	[tilespmem:v10+s7+$0x0] =	vst.idx.msk $0xffff, v11;
	v10 =	vbroadcast v12, $0x0  }
0x12a: {  	v11 =	vld.idx.msk [tilespmem:v3+s13+$0xF520 ss:$0x1], $0xffff  }
0x12b: {  	v10 =	vadd.s32 v2, v10  }
0x12c: {  	s15 =	sadd.s32 $0xE, s2  }
0x12d: {  	v12 =	vmov s15  }
0x12e: {  	v12 =	vshrl.u32 v12, $0x3  }
0x12f: {  	v12 =	vshll.u32 v12, v1  }
0x130: {  	[tilespmem:v10+s7+$0x0] =	vst.idx.msk $0xffff, v11;
	v10 =	vbroadcast v12, $0x0  }
0x131: {  	v11 =	vld.idx.msk [tilespmem:v3+s13+$0xF530 ss:$0x1], $0xffff  }
0x132: {  	v10 =	vadd.s32 v4, v10  }
0x133: {  	s15 =	sadd.s32 $0xD, s2  }
0x134: {  	v12 =	vmov s15  }
0x135: {  	v12 =	vshrl.u32 v12, $0x3  }
0x136: {  	v12 =	vshll.u32 v12, v1  }
0x137: {  	[tilespmem:v10+s7+$0x0] =	vst.idx.msk $0xffff, v11;
	v10 =	vbroadcast v12, $0x0  }
0x138: {  	v11 =	vld.idx.msk [tilespmem:v3+s13+$0xF540 ss:$0x1], $0xffff  }
0x139: {  	v10 =	vadd.s32 v5, v10  }
0x13a: {  	s15 =	sadd.s32 $0xC, s2  }
0x13b: {  	v12 =	vmov s15  }
0x13c: {  	v12 =	vshrl.u32 v12, $0x3  }
0x13d: {  	v12 =	vshll.u32 v12, v1  }
0x13e: {  	[tilespmem:v10+s7+$0x0] =	vst.idx.msk $0xffff, v11;
	v10 =	vbroadcast v12, $0x0  }
0x13f: {  	v11 =	vld.idx.msk [tilespmem:v3+s13+$0xF550 ss:$0x1], $0xffff  }
0x140: {  	v10 =	vadd.s32 v6, v10  }
0x141: {  	s15 =	sadd.s32 $0xB, s2  }
0x142: {  	v12 =	vmov s15  }
0x143: {  	v12 =	vshrl.u32 v12, $0x3  }
0x144: {  	v12 =	vshll.u32 v12, v1  }
0x145: {  	[tilespmem:v10+s7+$0x0] =	vst.idx.msk $0xffff, v11;
	v10 =	vbroadcast v12, $0x0  }
0x146: {  	v11 =	vld.idx.msk [tilespmem:v3+s13+$0xF560 ss:$0x1], $0xffff  }
0x147: {  	v10 =	vadd.s32 v7, v10  }
0x148: {  	s15 =	sadd.s32 $0xA, s2  }
0x149: {  	v12 =	vmov s15  }
0x14a: {  	v12 =	vshrl.u32 v12, $0x3  }
0x14b: {  	v12 =	vshll.u32 v12, v1  }
0x14c: {  	[tilespmem:v10+s7+$0x0] =	vst.idx.msk $0xffff, v11;
	v10 =	vbroadcast v12, $0x0  }
0x14d: {  	v11 =	vld.idx.msk [tilespmem:v3+s13+$0xF570 ss:$0x1], $0xffff  }
0x14e: {  	v10 =	vadd.s32 v8, v10  }
0x14f: {  	s15 =	sadd.s32 $0x9, s2  }
0x150: {  	v12 =	vmov s15  }
0x151: {  	v12 =	vshrl.u32 v12, $0x3  }
0x152: {  	v12 =	vshll.u32 v12, v1  }
0x153: {  	[tilespmem:v10+s7+$0x0] =	vst.idx.msk $0xffff, v11;
	v10 =	vbroadcast v12, $0x0  }
0x154: {  	v11 =	vld.idx.msk [tilespmem:v3+s13+$0xF580 ss:$0x1], $0xffff  }
0x155: {  	v10 =	vadd.s32 v9, v10  }
0x156: {  	s15 =	sadd.s32 $0x8, s2  }
0x157: {  	v12 =	vmov s15  }
0x158: {  	v12 =	vshrl.u32 v12, $0x3  }
0x159: {  	v12 =	vshll.u32 v12, v1  }
0x15a: {  	[tilespmem:v10+s7+$0x0] =	vst.idx.msk $0xffff, v11;
	v10 =	vbroadcast v12, $0x0  }
0x15b: {  	v11 =	vld.idx.msk [tilespmem:v3+s13+$0xF590 ss:$0x1], $0xffff  }
0x15c: {  	v10 =	vadd.s32 v0, v10;
	_ =	sdelay $0x1  }
0x15d: {  	v12 =	vmov s2  }
0x15e: {  	v12 =	vshrl.u32 v12, $0x3  }
0x15f: {  	v12 =	vshll.u32 v12, v1  }
0x160: {  	[tilespmem:v10+s7+$0x0] =	vst.idx.msk $0xffff, v11;
	v11 =	vbroadcast v12, $0x0  }
0x161: {  	v10 =	vld.idx.msk [tilespmem:v3+s13+$0xF5A0 ss:$0x1], $0xffff  }
0x162: {  	v12 =	vadd.s32 v2, v11;
	_ =	sdelay $0x4  }
0x163: {  	[tilespmem:v12+s7+$0x0] =	vst.idx.msk $0xffff, v10  }
0x164: {  	v10 =	vld.idx.msk [tilespmem:v3+s13+$0xF5B0 ss:$0x1], $0xffff  }
0x165: {  	v12 =	vadd.s32 v4, v11;
	_ =	sdelay $0x4  }
0x166: {  	[tilespmem:v12+s7+$0x0] =	vst.idx.msk $0xffff, v10  }
0x167: {  	v10 =	vld.idx.msk [tilespmem:v3+s13+$0xF5C0 ss:$0x1], $0xffff  }
0x168: {  	v12 =	vadd.s32 v5, v11;
	_ =	sdelay $0x4  }
0x169: {  	[tilespmem:v12+s7+$0x0] =	vst.idx.msk $0xffff, v10  }
0x16a: {  	v10 =	vld.idx.msk [tilespmem:v3+s13+$0xF5D0 ss:$0x1], $0xffff  }
0x16b: {  	v12 =	vadd.s32 v6, v11;
	_ =	sdelay $0x4  }
0x16c: {  	[tilespmem:v12+s7+$0x0] =	vst.idx.msk $0xffff, v10  }
0x16d: {  	v10 =	vld.idx.msk [tilespmem:v3+s13+$0xF5E0 ss:$0x1], $0xffff  }
0x16e: {  	v12 =	vadd.s32 v7, v11;
	_ =	sdelay $0x4  }
0x16f: {  	[tilespmem:v12+s7+$0x0] =	vst.idx.msk $0xffff, v10  }
0x170: {  	v10 =	vld.idx.msk [tilespmem:v3+s13+$0xF5F0 ss:$0x1], $0xffff  }
0x171: {  	v12 =	vadd.s32 v8, v11;
	_ =	sdelay $0x4  }
0x172: {  	[tilespmem:v12+s7+$0x0] =	vst.idx.msk $0xffff, v10  }
0x173: {  	v10 =	vld.idx.msk [tilespmem:v3+s13+$0xF600 ss:$0x1], $0xffff  }
0x174: {  	v12 =	vadd.s32 v9, v11;
	_ =	sdelay $0x3  }
.Ltmp0:
0x175: {  	(pc) =	sbr.rel @p0 .LBB2_2-.Ltmp0, $4  }
0x176: {  	[tilespmem:v12+s7+$0x0] =	vst.idx.msk $0xffff, v10  }
0x177: {  	v10 =	vld.idx.msk [tilespmem:v3+s13+$0xF610 ss:$0x1], $0xffff  }
0x178: {  	s2 =	sadd.s32 $0x20, s2;
	v11 =	vadd.s32 v0, v11  }
0x179: {  	s11 =	sadd.s32 $0xFFFFF040, s11;
	s13 =	sadd.s32 $0x1F, s2  }
0x17a: {  	v12 =	vmov s13  }
0x17b: {  	v12 =	vshrl.u32 v12, $0x3  }
0x17c: {  	v12 =	vshll.u32 v12, v1  }
0x17d: {  	v12 =	vbroadcast v12, $0x0  }
0x17e: {  	s9 =	sshra.s32 s9, $0x2;
	[tilespmem:v11+s7+$0x0] =	vst.idx.msk $0xffff, v10  }
0x17f: {  	s11 =	sadd.s32 $0x1E, s2;
	v10 =	vld.idx.msk [tilespmem:v3+s9+$0xF420 ss:$0x1], $0xffff;
	v11 =	vadd.s32 v2, v12  }
0x180: {  	v40 =	vmov s11  }
0x181: {  	v12 =	vshrl.u32 v40, $0x3  }
0x182: {  	v12 =	vshll.u32 v12, v1  }
0x183: {  	v12 =	vbroadcast v12, $0x0  }
0x184: {  	[tilespmem:v11+s7+$0x0] =	vst.idx.msk $0xffff, v10  }
0x185: {  	s13 =	sadd.s32 $0x1D, s2;
	v11 =	vadd.s32 v4, v12;
	v10 =	vld.idx.msk [tilespmem:v3+s9+$0xF430 ss:$0x1], $0xffff  }
0x186: {  	v41 =	vmov s13  }
0x187: {  	v12 =	vshrl.u32 v41, $0x3  }
0x188: {  	v12 =	vshll.u32 v12, v1  }
0x189: {  	v12 =	vbroadcast v12, $0x0  }
0x18a: {  	[tilespmem:v11+s7+$0x0] =	vst.idx.msk $0xffff, v10  }
0x18b: {  	s15 =	sadd.s32 $0x1C, s2;
	v11 =	vadd.s32 v5, v12;
	v10 =	vld.idx.msk [tilespmem:v3+s9+$0xF440 ss:$0x1], $0xffff  }
0x18c: {  	v42 =	vmov s15  }
0x18d: {  	v12 =	vshrl.u32 v42, $0x3  }
0x18e: {  	v12 =	vshll.u32 v12, v1  }
0x18f: {  	v12 =	vbroadcast v12, $0x0  }
0x190: {  	[tilespmem:v11+s7+$0x0] =	vst.idx.msk $0xffff, v10  }
0x191: {  	s13 =	sadd.s32 $0x1B, s2;
	v11 =	vadd.s32 v6, v12;
	v10 =	vld.idx.msk [tilespmem:v3+s9+$0xF450 ss:$0x1], $0xffff  }
0x192: {  	v43 =	vmov s13  }
0x193: {  	v12 =	vshrl.u32 v43, $0x3  }
0x194: {  	v12 =	vshll.u32 v12, v1  }
0x195: {  	v12 =	vbroadcast v12, $0x0  }
0x196: {  	[tilespmem:v11+s7+$0x0] =	vst.idx.msk $0xffff, v10  }
0x197: {  	s15 =	sadd.s32 $0x1A, s2;
	v11 =	vadd.s32 v7, v12;
	v10 =	vld.idx.msk [tilespmem:v3+s9+$0xF460 ss:$0x1], $0xffff  }
0x198: {  	v44 =	vmov s15  }
0x199: {  	v12 =	vshrl.u32 v44, $0x3  }
0x19a: {  	v12 =	vshll.u32 v12, v1  }
0x19b: {  	v12 =	vbroadcast v12, $0x0  }
0x19c: {  	[tilespmem:v11+s7+$0x0] =	vst.idx.msk $0xffff, v10  }
0x19d: {  	s13 =	sadd.s32 $0x19, s2;
	v11 =	vadd.s32 v8, v12;
	v10 =	vld.idx.msk [tilespmem:v3+s9+$0xF470 ss:$0x1], $0xffff  }
0x19e: {  	v45 =	vmov s13  }
0x19f: {  	v12 =	vshrl.u32 v45, $0x3  }
0x1a0: {  	v12 =	vshll.u32 v12, v1  }
0x1a1: {  	v12 =	vbroadcast v12, $0x0  }
0x1a2: {  	[tilespmem:v11+s7+$0x0] =	vst.idx.msk $0xffff, v10  }
0x1a3: {  	s15 =	sadd.s32 $0x18, s2;
	v11 =	vadd.s32 v9, v12;
	v10 =	vld.idx.msk [tilespmem:v3+s9+$0xF480 ss:$0x1], $0xffff  }
0x1a4: {  	v46 =	vmov s15  }
0x1a5: {  	v12 =	vshrl.u32 v46, $0x3  }
0x1a6: {  	v12 =	vshll.u32 v12, v1  }
0x1a7: {  	v12 =	vbroadcast v12, $0x0  }
0x1a8: {  	[tilespmem:v11+s7+$0x0] =	vst.idx.msk $0xffff, v10  }
0x1a9: {  	s13 =	sadd.s32 $0x17, s2;
	v11 =	vadd.s32 v0, v12;
	v10 =	vld.idx.msk [tilespmem:v3+s9+$0xF490 ss:$0x1], $0xffff  }
0x1aa: {  	v47 =	vmov s13  }
0x1ab: {  	v12 =	vshrl.u32 v47, $0x3  }
0x1ac: {  	v12 =	vshll.u32 v12, v1  }
0x1ad: {  	v12 =	vbroadcast v12, $0x0  }
0x1ae: {  	[tilespmem:v11+s7+$0x0] =	vst.idx.msk $0xffff, v10  }
0x1af: {  	s15 =	sadd.s32 $0x16, s2;
	v11 =	vadd.s32 v2, v12;
	v10 =	vld.idx.msk [tilespmem:v3+s9+$0xF4A0 ss:$0x1], $0xffff  }
0x1b0: {  	v48 =	vmov s15  }
0x1b1: {  	v12 =	vshrl.u32 v48, $0x3  }
0x1b2: {  	v12 =	vshll.u32 v12, v1  }
0x1b3: {  	v12 =	vbroadcast v12, $0x0  }
0x1b4: {  	[tilespmem:v11+s7+$0x0] =	vst.idx.msk $0xffff, v10  }
0x1b5: {  	s13 =	sadd.s32 $0x15, s2;
	v11 =	vadd.s32 v4, v12;
	v10 =	vld.idx.msk [tilespmem:v3+s9+$0xF4B0 ss:$0x1], $0xffff  }
0x1b6: {  	v49 =	vmov s13  }
0x1b7: {  	v12 =	vshrl.u32 v49, $0x3  }
0x1b8: {  	v12 =	vshll.u32 v12, v1  }
0x1b9: {  	v12 =	vbroadcast v12, $0x0  }
0x1ba: {  	[tilespmem:v11+s7+$0x0] =	vst.idx.msk $0xffff, v10  }
0x1bb: {  	s15 =	sadd.s32 $0x14, s2;
	v11 =	vadd.s32 v5, v12;
	v10 =	vld.idx.msk [tilespmem:v3+s9+$0xF4C0 ss:$0x1], $0xffff  }
0x1bc: {  	v50 =	vmov s15  }
0x1bd: {  	v12 =	vshrl.u32 v50, $0x3  }
0x1be: {  	v12 =	vshll.u32 v12, v1  }
0x1bf: {  	v12 =	vbroadcast v12, $0x0  }
0x1c0: {  	[tilespmem:v11+s7+$0x0] =	vst.idx.msk $0xffff, v10  }
0x1c1: {  	s13 =	sadd.s32 $0x13, s2;
	v11 =	vadd.s32 v6, v12;
	v10 =	vld.idx.msk [tilespmem:v3+s9+$0xF4D0 ss:$0x1], $0xffff  }
0x1c2: {  	v51 =	vmov s13  }
0x1c3: {  	v12 =	vshrl.u32 v51, $0x3  }
0x1c4: {  	v12 =	vshll.u32 v12, v1  }
0x1c5: {  	v12 =	vbroadcast v12, $0x0  }
0x1c6: {  	[tilespmem:v11+s7+$0x0] =	vst.idx.msk $0xffff, v10  }
0x1c7: {  	s15 =	sadd.s32 $0x12, s2;
	v11 =	vadd.s32 v7, v12;
	v10 =	vld.idx.msk [tilespmem:v3+s9+$0xF4E0 ss:$0x1], $0xffff  }
0x1c8: {  	v52 =	vmov s15  }
0x1c9: {  	v12 =	vshrl.u32 v52, $0x3  }
0x1ca: {  	v12 =	vshll.u32 v12, v1  }
0x1cb: {  	v12 =	vbroadcast v12, $0x0  }
0x1cc: {  	[tilespmem:v11+s7+$0x0] =	vst.idx.msk $0xffff, v10  }
0x1cd: {  	s13 =	sadd.s32 $0x11, s2;
	v11 =	vadd.s32 v8, v12;
	v10 =	vld.idx.msk [tilespmem:v3+s9+$0xF4F0 ss:$0x1], $0xffff  }
0x1ce: {  	v53 =	vmov s13  }
0x1cf: {  	v12 =	vshrl.u32 v53, $0x3  }
0x1d0: {  	v12 =	vshll.u32 v12, v1  }
0x1d1: {  	v12 =	vbroadcast v12, $0x0  }
0x1d2: {  	[tilespmem:v11+s7+$0x0] =	vst.idx.msk $0xffff, v10  }
0x1d3: {  	s15 =	sadd.s32 $0x10, s2;
	v11 =	vadd.s32 v9, v12;
	v10 =	vld.idx.msk [tilespmem:v3+s9+$0xF500 ss:$0x1], $0xffff  }
0x1d4: {  	v54 =	vmov s15  }
0x1d5: {  	v12 =	vshrl.u32 v54, $0x3  }
0x1d6: {  	v12 =	vshll.u32 v12, v1  }
0x1d7: {  	v12 =	vbroadcast v12, $0x0  }
0x1d8: {  	[tilespmem:v11+s7+$0x0] =	vst.idx.msk $0xffff, v10  }
0x1d9: {  	s13 =	sadd.s32 $0xF, s2;
	v11 =	vadd.s32 v0, v12;
	v10 =	vld.idx.msk [tilespmem:v3+s9+$0xF510 ss:$0x1], $0xffff  }
0x1da: {  	v55 =	vmov s13  }
0x1db: {  	v12 =	vshrl.u32 v55, $0x3  }
0x1dc: {  	v12 =	vshll.u32 v12, v1  }
0x1dd: {  	v12 =	vbroadcast v12, $0x0  }
0x1de: {  	[tilespmem:v11+s7+$0x0] =	vst.idx.msk $0xffff, v10  }
0x1df: {  	s15 =	sadd.s32 $0xE, s2;
	v11 =	vadd.s32 v2, v12;
	v10 =	vld.idx.msk [tilespmem:v3+s9+$0xF520 ss:$0x1], $0xffff  }
0x1e0: {  	v56 =	vmov s15  }
0x1e1: {  	v12 =	vshrl.u32 v56, $0x3  }
0x1e2: {  	v12 =	vshll.u32 v12, v1  }
0x1e3: {  	v12 =	vbroadcast v12, $0x0  }
0x1e4: {  	[tilespmem:v11+s7+$0x0] =	vst.idx.msk $0xffff, v10  }
0x1e5: {  	s13 =	sadd.s32 $0xD, s2;
	v11 =	vadd.s32 v4, v12;
	v10 =	vld.idx.msk [tilespmem:v3+s9+$0xF530 ss:$0x1], $0xffff  }
0x1e6: {  	v57 =	vmov s13  }
0x1e7: {  	v12 =	vshrl.u32 v57, $0x3  }
0x1e8: {  	v12 =	vshll.u32 v12, v1  }
0x1e9: {  	v12 =	vbroadcast v12, $0x0  }
0x1ea: {  	[tilespmem:v11+s7+$0x0] =	vst.idx.msk $0xffff, v10  }
0x1eb: {  	s15 =	sadd.s32 $0xC, s2;
	v11 =	vadd.s32 v5, v12;
	v10 =	vld.idx.msk [tilespmem:v3+s9+$0xF540 ss:$0x1], $0xffff  }
0x1ec: {  	v58 =	vmov s15  }
0x1ed: {  	v12 =	vshrl.u32 v58, $0x3  }
0x1ee: {  	v12 =	vshll.u32 v12, v1  }
0x1ef: {  	v12 =	vbroadcast v12, $0x0  }
0x1f0: {  	[tilespmem:v11+s7+$0x0] =	vst.idx.msk $0xffff, v10  }
0x1f1: {  	s13 =	sadd.s32 $0xB, s2;
	v11 =	vadd.s32 v6, v12;
	v10 =	vld.idx.msk [tilespmem:v3+s9+$0xF550 ss:$0x1], $0xffff  }
0x1f2: {  	v59 =	vmov s13  }
0x1f3: {  	v12 =	vshrl.u32 v59, $0x3  }
0x1f4: {  	v12 =	vshll.u32 v12, v1  }
0x1f5: {  	v12 =	vbroadcast v12, $0x0  }
0x1f6: {  	[tilespmem:v11+s7+$0x0] =	vst.idx.msk $0xffff, v10  }
0x1f7: {  	s15 =	sadd.s32 $0xA, s2;
	v11 =	vadd.s32 v7, v12;
	v10 =	vld.idx.msk [tilespmem:v3+s9+$0xF560 ss:$0x1], $0xffff  }
0x1f8: {  	v60 =	vmov s15  }
0x1f9: {  	v12 =	vshrl.u32 v60, $0x3  }
0x1fa: {  	v12 =	vshll.u32 v12, v1  }
0x1fb: {  	v12 =	vbroadcast v12, $0x0  }
0x1fc: {  	[tilespmem:v11+s7+$0x0] =	vst.idx.msk $0xffff, v10  }
0x1fd: {  	s13 =	sadd.s32 $0x9, s2;
	v11 =	vadd.s32 v8, v12;
	v10 =	vld.idx.msk [tilespmem:v3+s9+$0xF570 ss:$0x1], $0xffff  }
0x1fe: {  	v61 =	vmov s13  }
0x1ff: {  	v12 =	vshrl.u32 v61, $0x3  }
0x200: {  	v12 =	vshll.u32 v12, v1  }
0x201: {  	v12 =	vbroadcast v12, $0x0  }
0x202: {  	[tilespmem:v11+s7+$0x0] =	vst.idx.msk $0xffff, v10  }
0x203: {  	s15 =	sadd.s32 $0x8, s2;
	v11 =	vadd.s32 v9, v12;
	v10 =	vld.idx.msk [tilespmem:v3+s9+$0xF580 ss:$0x1], $0xffff  }
0x204: {  	v62 =	vmov s15  }
0x205: {  	v12 =	vshrl.u32 v62, $0x3  }
0x206: {  	v12 =	vshll.u32 v12, v1  }
0x207: {  	v12 =	vbroadcast v12, $0x0  }
0x208: {  	[tilespmem:v11+s7+$0x0] =	vst.idx.msk $0xffff, v10  }
0x209: {  	v11 =	vadd.s32 v0, v12;
	v10 =	vld.idx.msk [tilespmem:v3+s9+$0xF590 ss:$0x1], $0xffff  }
0x20a: {  	v63 =	vmov s2  }
0x20b: {  	v12 =	vshrl.u32 v63, $0x3  }
0x20c: {  	v12 =	vshll.u32 v12, v1  }
0x20d: {  	v12 =	vbroadcast v12, $0x0  }
0x20e: {  	[tilespmem:v11+s7+$0x0] =	vst.idx.msk $0xffff, v10  }
0x20f: {  	v11 =	vadd.s32 v2, v12;
	v10 =	vld.idx.msk [tilespmem:v3+s9+$0xF5A0 ss:$0x1], $0xffff;
	_ =	sdelay $0x4  }
0x210: {  	[tilespmem:v11+s7+$0x0] =	vst.idx.msk $0xffff, v10  }
0x211: {  	v11 =	vadd.s32 v4, v12;
	v10 =	vld.idx.msk [tilespmem:v3+s9+$0xF5B0 ss:$0x1], $0xffff;
	_ =	sdelay $0x4  }
0x212: {  	[tilespmem:v11+s7+$0x0] =	vst.idx.msk $0xffff, v10  }
0x213: {  	v11 =	vadd.s32 v5, v12;
	v10 =	vld.idx.msk [tilespmem:v3+s9+$0xF5C0 ss:$0x1], $0xffff;
	_ =	sdelay $0x4  }
0x214: {  	[tilespmem:v11+s7+$0x0] =	vst.idx.msk $0xffff, v10  }
0x215: {  	v11 =	vadd.s32 v6, v12;
	v10 =	vld.idx.msk [tilespmem:v3+s9+$0xF5D0 ss:$0x1], $0xffff;
	_ =	sdelay $0x4  }
0x216: {  	[tilespmem:v11+s7+$0x0] =	vst.idx.msk $0xffff, v10  }
0x217: {  	v11 =	vadd.s32 v7, v12;
	v10 =	vld.idx.msk [tilespmem:v3+s9+$0xF5E0 ss:$0x1], $0xffff;
	_ =	sdelay $0x4  }
0x218: {  	[tilespmem:v11+s7+$0x0] =	vst.idx.msk $0xffff, v10  }
0x219: {  	v11 =	vadd.s32 v8, v12;
	v10 =	vld.idx.msk [tilespmem:v3+s9+$0xF5F0 ss:$0x1], $0xffff;
	_ =	sdelay $0x4  }
0x21a: {  	[tilespmem:v11+s7+$0x0] =	vst.idx.msk $0xffff, v10  }
0x21b: {  	v11 =	vadd.s32 v9, v12;
	v10 =	vld.idx.msk [tilespmem:v3+s9+$0xF600 ss:$0x1], $0xffff;
	_ =	sdelay $0x4  }
0x21c: {  	[tilespmem:v11+s7+$0x0] =	vst.idx.msk $0xffff, v10  }
0x21d: {  	v11 =	vadd.s32 v0, v12;
	v10 =	vld.idx.msk [tilespmem:v3+s9+$0xF610 ss:$0x1], $0xffff;
	_ =	sdelay $0x4  }
0x21e: {  	[tilespmem:v11+s7+$0x0] =	vst.idx.msk $0xffff, v10  }
0x21f: {  	[hbm4b:s4+s1] =	stream.linear.scatter [tilespmem:s7], [sflag:$0x1], $0x800, $0x38;
	[tilespmem:$0x17890] =	vst v63  }
0x220: {  	s11 =	simm.s32 $0x10018  }
0x221: {  	[hbm4b:s8+s1] =	stream.linear.scatter [tilespmem:s11], [sflag:$0x1], $0x800, $0x38;
	[tilespmem:$0x17890] =	vst v63  }
0x222: {  	s13 =	simm.s32 $0x10820  }
0x223: {  	[hbm4b:s10+s1] =	stream.linear.scatter [tilespmem:s13], [sflag:$0x1], $0x800, $0x38;
	[tilespmem:$0x17890] =	vst v63  }
0x224: {  	s15 =	simm.s32 $0x11028  }
0x225: {  	[hbm4b:s12+s1] =	stream.linear.scatter [tilespmem:s15], [sflag:$0x1], $0x800, $0x38;
	[tilespmem:$0x17890] =	vst v63  }
0x226: {  	s9 =	simm.s32 $0x11830  }
0x227: {  	[hbm4b:s14+s1] =	stream.linear.scatter [tilespmem:s9], [sflag:$0x1], $0x800, $0x38;
	[tilespmem:$0x17890] =	vst v63  }
0x228: {  	_ = 	snop  }
0x229: {  	[hbm4b:s16+s1] =	stream.linear.scatter [tilespmem:s17], [sflag:$0x1], $0x800, $0x38;
	[tilespmem:$0x17890] =	vst v63  }
0x22a: {  	_ = 	snop  }
0x22b: {  	[hbm4b:s18+s1] =	stream.linear.scatter [tilespmem:s19], [sflag:$0x1], $0x800, $0x38;
	[tilespmem:$0x17890] =	vst v63  }
0x22c: {  	_ = 	snop  }
0x22d: {  	[hbm4b:s20+s1] =	stream.linear.scatter [tilespmem:s21], [sflag:$0x1], $0x800, $0x38;
	[tilespmem:$0x17890] =	vst v63  }
0x22e: {  	_ = 	snop  }
0x22f: {  	[hbm4b:s22+s1] =	stream.linear.scatter [tilespmem:s23], [sflag:$0x1], $0x800, $0x38;
	[tilespmem:$0x17890] =	vst v63  }
0x230: {  	s11 =	sadd.s32 $0x12000, s4  }
0x231: {  	[hbm4b:s11+s1] =	stream.linear.scatter [tilespmem:s24], [sflag:$0x1], $0x800, $0x38;
	[tilespmem:$0x17890] =	vst v63  }
0x232: {  	s13 =	sadd.s32 $0x14000, s4  }
0x233: {  	[hbm4b:s13+s1] =	stream.linear.scatter [tilespmem:s25], [sflag:$0x1], $0x800, $0x38;
	[tilespmem:$0x17890] =	vst v63  }
0x234: {  	s15 =	sadd.s32 $0x16000, s4  }
0x235: {  	[hbm4b:s15+s1] =	stream.linear.scatter [tilespmem:s26], [sflag:$0x1], $0x800, $0x38;
	[tilespmem:$0x17890] =	vst v63  }
0x236: {  	s9 =	sadd.s32 $0x18000, s4  }
0x237: {  	[hbm4b:s9+s1] =	stream.linear.scatter [tilespmem:s28], [sflag:$0x1], $0x800, $0x38;
	[tilespmem:$0x17890] =	vst v63  }
0x238: {  	s0 =	sadd.s32 $0x1, s0;
	s11 =	sadd.s32 $0x1A000, s4  }
0x239: {  	[hbm4b:s11+s1] =	stream.linear.scatter [tilespmem:s29], [sflag:$0x1], $0x800, $0x38;
	[tilespmem:$0x17890] =	vst v63  }
0x23a: {  	p0 =	sne.s32 s0, s5;
	s13 =	sadd.s32 $0x1C000, s4  }
0x23b: {  	[hbm4b:s13+s1] =	stream.linear.scatter [tilespmem:s30], [sflag:$0x1], $0x800, $0x38;
	[tilespmem:$0x17890] =	vst v63  }
.Ltmp1:
0x23c: {  	s15 =	sadd.s32 $0x1E000, s4;
	(pc) =	sbr.rel @p0 .LBB2_1-.Ltmp1, $4  }
0x23d: {  	[hbm4b:s15+s1] =	stream.linear.scatter [tilespmem:s31], [sflag:$0x1], $0x800, $0x38;
	[tilespmem:$0x17890] =	vst v63  }
0x23e: {  	_ =	swait.ge [sflag:s6], $0x8000  }
0x23f: {  	[sflag:s6] =	ssyncset.done $0x0  }
0x240: {  	[sflag:s6] =	ssyncadd.s32 $0xFFFF8000  }
0x241: {  	_ =	sfence.sel $0x180000  }
0x242: {  	[bflag:$0x0] =	sbarrier.arrive $0xFFFF  }
0x243: {  	_ =	strace $0x90000047  }
0x244: {  	s0 =	stileid.u32;
	[bflag:$0x2] =	sbarrier.arrive $0xFFFF  }
0x245: {  	p0 =	sne.s32 s0, $0x0;
	s0 =	rddreg [dreg:$0x2]  }
0x246: {  	s0 =	sadd.s32 @!p0 $0x100000, s0  }
0x247: {  	[sflag:s0] =	ssyncadd.tile.s32 @!p0 $0x1;
	_ =	shalt  }
.Lfunc_end2:
_tile_overlayer_lowered:
.L_overlay_start_2:
0x248: {  	(tag) =	ssettag $0x2  }
0x249: {  	s0 =	rddreg [dreg:$0x0];
	s2 =	stileid.u32  }
0x24a: {  	s1 =	rddreg [dreg:$0x1];
	p0 =	sne.s32 s2, $0x0  }
0x24b: {  	s3 =	rddreg [dreg:$0x2];
	[bflag:$0x3] =	sbarrier.arrive $0xFFFF;
	s2 =	simm.s32 @!p0 $0x1C01  }
0x24c: {  	[timem:s3], [sflag:s2] =	dma.local @!p0 [hbm:s0], s1  }
0x24d: {  	s0 =	simm.s32 @!p0 $0x1  }
0x24e: {  	_ =	swait.ge @!p0 [sflag:s0], s1  }
0x24f: {  	s1 =	ssub.s32 @!p0 $0x0, s1;
	[sflag:s0] =	ssyncset.done @!p0 $0x0  }
0x250: {  	[sflag:s0] =	ssyncadd.s32 @!p0 s1  }
0x251: {  	[bflag:$0x3] =	sbarrier.arrive $0xFFFF  }
0x252: {  	_ =	shalt  }

</sc_bundles>
